<compile_context>
chip_gen: v7x
topology: tpu7x:2x2x1
jax: 0.10.2.dev20260603
libtpu: 0.0.44.dev20260713+nightly
codegen_flags: <defaults>
</compile_context>

<pallas_src>
import functools

import jax
import jax.numpy as jnp
from jax import lax
from jax.experimental import pallas as pl
from jax.experimental.pallas import tpu as pltpu
from jax.experimental.pallas import tpu_sc as plsc

N_NODES = 10000
D = 128
N_EDGES = 320000

NC = 2
NS = 16
NW = NC * NS

CW = 128
K = -(-N_EDGES // (NW * CW))
E_PAD = NW * K * CW
N_PAD = 10240
SLICE = N_PAD // NS
DEG_W = 16

def _sc_deg_body(dsts, deg_out, deg_v, dst_v):
    c = lax.axis_index("c")
    s = lax.axis_index("s")
    wid = c * NS + s
    zeros16 = jnp.zeros((16,), jnp.float32)

    def zstep(i, carry):
        deg_v[pl.ds(i * 16, 16)] = zeros16
        return carry

    lax.fori_loop(0, N_PAD // 16, zstep, 0)
    ones16 = jnp.ones((16,), jnp.float32)

    def step(j, carry):
        pltpu.sync_copy(dsts.at[wid, j], dst_v)

        def inner(i, carry2):
            idx = dst_v[pl.ds(i * 16, 16)]
            plsc.addupdate_scatter(deg_v, [idx], ones16)
            return carry2

        lax.fori_loop(0, CW // 16, inner, 0)
        return carry

    lax.fori_loop(0, K, step, 0)
    pltpu.sync_copy(deg_v, deg_out.at[wid])


def _sc_agg_body(table, sds, zf,
                 agg_out,
                 acc, sd_v, rows_v, sem):
    c = lax.axis_index("c")
    s = lax.axis_index("s")
    wid = c * NS + s
    off = s * SLICE
    pltpu.sync_copy(zf, rows_v)
    for r in range(SLICE // CW):
        pltpu.sync_copy(rows_v, acc.at[pl.ds(off + r * CW, CW)])
    plsc.subcore_barrier()

    def step(j, carry):
        pltpu.sync_copy(sds.at[wid, j], sd_v)
        pltpu.async_copy(table.at[sd_v.at[0]], rows_v, sem).wait()
        pltpu.sync_copy(rows_v, acc.at[sd_v.at[1]], add=True)
        return carry

    lax.fori_loop(0, K, step, 0)
    plsc.subcore_barrier()
    for r in range(SLICE // CW):
        pltpu.sync_copy(acc.at[pl.ds(off + r * CW, CW)], rows_v)
        pltpu.sync_copy(rows_v, agg_out.at[c].at[pl.ds(off + r * CW, CW)])


@functools.lru_cache(maxsize=None)
def _build_sc_kernels():
    mesh = plsc.VectorSubcoreMesh(core_axis_name="c", subcore_axis_name="s")
    sc_deg = pl.kernel(
        _sc_deg_body,
        out_type=jax.ShapeDtypeStruct((NW, N_PAD), jnp.float32),
        mesh=mesh,
        scratch_types=[
            pltpu.VMEM((N_PAD,), jnp.float32),
            pltpu.VMEM((CW,), jnp.int32),
        ],
        compiler_params=pltpu.CompilerParams(needs_layout_passes=False),
    )
    sc_agg = pl.kernel(
        _sc_agg_body,
        out_type=jax.ShapeDtypeStruct((NC, N_PAD, D), jnp.float32),
        mesh=mesh,
        scratch_types=[
            pltpu.VMEM_SHARED((N_PAD, D), jnp.float32),
            pltpu.VMEM((2, CW), jnp.int32),
            pltpu.VMEM((CW, D), jnp.float32),
            pltpu.SemaphoreType.DMA,
        ],
    )
    return sc_deg, sc_agg


def _tc_layer_body(lrelu, x_ref, a_ref, d_ref, ws_ref, wn_ref, b_ref, o_ref):
    hn = a_ref[0] + a_ref[1]
    deg = jnp.maximum(jnp.sum(d_ref[...], axis=1), 1.0)
    hn = hn / deg[:, None]
    out = (jnp.dot(x_ref[...], ws_ref[...],
                   precision=lax.Precision.HIGHEST,
                   preferred_element_type=jnp.float32)
           + jnp.dot(hn, wn_ref[...],
                     precision=lax.Precision.HIGHEST,
                     preferred_element_type=jnp.float32)
           + b_ref[...])
    if lrelu:
        out = jnp.where(out > 0, out, 0.2 * out)
    o_ref[...] = out


def _tc_layer(x, agg, degp, w_self, w_neigh, b, lrelu):
    br = 1000
    grid = N_NODES // br
    return pl.pallas_call(
        functools.partial(_tc_layer_body, lrelu),
        grid=(grid,),
        in_specs=[
            pl.BlockSpec((br, D), lambda i: (i, 0)),
            pl.BlockSpec((NC, br, D), lambda i: (0, i, 0)),
            pl.BlockSpec((br, NW), lambda i: (i, 0)),
            pl.BlockSpec((D, D), lambda i: (0, 0)),
            pl.BlockSpec((D, D), lambda i: (0, 0)),
            pl.BlockSpec((1, D), lambda i: (0, 0)),
        ],
        out_specs=pl.BlockSpec((br, D), lambda i: (i, 0)),
        out_shape=jax.ShapeDtypeStruct((N_NODES, D), jnp.float32),
    )(x, agg, degp, w_self, w_neigh, b)


def kernel(edge_index, emb, W1_self, W1_neigh, b1, W2_self, W2_neigh, b2):
    src = edge_index[0].astype(jnp.int32)
    dst = edge_index[1].astype(jnp.int32)
    pad = E_PAD - N_EDGES
    src_p = jnp.concatenate(
        [src, jnp.zeros((pad,), jnp.int32)]).reshape(NW, K, CW)
    dst_p = jnp.concatenate(
        [dst, jnp.full((pad,), N_NODES, jnp.int32)]).reshape(NW, K, CW)
    zf = jnp.zeros((CW, D), jnp.float32)

    sd_p = jnp.stack([src_p, dst_p], axis=2)

    sc_deg, sc_agg = _build_sc_kernels()
    degp = sc_deg(dst_p).T
    agg1 = sc_agg(emb, sd_p, zf)
    h = _tc_layer(emb, agg1, degp, W1_self, W1_neigh,
                  b1.reshape(1, D), lrelu=True)
    agg2 = sc_agg(h, sd_p, zf)
    out = _tc_layer(h, agg2, degp, W2_self, W2_neigh,
                    b2.reshape(1, D), lrelu=False)
    return out

# --- scband reference (transcript-rebuilt; emitter-appended) ---
"""Pipeline reference for scband-graph-sage-29016799052486 (READ-ONLY COPY).

The authoritative reference and input builder live on the scoring server;
editing this copy changes nothing except your own understanding.
"""

import jax, jax.numpy as jnp
import numpy as np

N_NODES = 10000
IN_FEATS = 128
H_FEATS = 128
N_EDGES = 320000


def setup_inputs(seed: int = 0) -> dict:
    key = jax.random.key(seed)
    ks = jax.random.split(key, 8)
    edge_index = jax.random.randint(ks[0], (2, N_EDGES), 0, N_NODES, dtype=jnp.int64)
    # frozen node embedding table (xavier-uniform init)
    lim_e = float(np.sqrt(6.0 / (N_NODES + IN_FEATS)))
    emb = jax.random.uniform(ks[1], (N_NODES, IN_FEATS), minval=-lim_e, maxval=lim_e, dtype=jnp.float32)
    def xavier(k, fan_in, fan_out):
        lim = float(np.sqrt(6.0 / (fan_in + fan_out)))
        return jax.random.uniform(k, (fan_in, fan_out), minval=-lim, maxval=lim, dtype=jnp.float32)
    W1_self = xavier(ks[2], IN_FEATS, H_FEATS)
    W1_neigh = xavier(ks[3], IN_FEATS, H_FEATS)
    b1 = jnp.zeros((H_FEATS,), dtype=jnp.float32)
    W2_self = xavier(ks[4], H_FEATS, H_FEATS)
    W2_neigh = xavier(ks[5], H_FEATS, H_FEATS)
    b2 = jnp.zeros((H_FEATS,), dtype=jnp.float32)
    return {"edge_index": edge_index, "emb": emb,
            "W1_self": W1_self, "W1_neigh": W1_neigh, "b1": b1,
            "W2_self": W2_self, "W2_neigh": W2_neigh, "b2": b2}


def _sage_conv(h, src, dst, n_nodes, W_self, W_neigh, b):
    # DGL SAGEConv with mean aggregator:
    #   h_neigh = mean_{j in N(i)} h_j ; out = h_i @ W_self + h_neigh @ W_neigh + b
    msgs = h[src]  # gather along src nodes
    agg = jax.ops.segment_sum(msgs, dst, num_segments=n_nodes)
    deg = jax.ops.segment_sum(jnp.ones((dst.shape[0],), dtype=h.dtype), dst, num_segments=n_nodes)
    h_neigh = agg / jnp.maximum(deg, 1.0)[:, None]
    return h @ W_self + h_neigh @ W_neigh + b


def reference(edge_index, emb, W1_self, W1_neigh, b1, W2_self, W2_neigh, b2):
    n_nodes = emb.shape[0]
    src = edge_index[0]
    dst = edge_index[1]
    # x = node_emb(g.nodes()) == full table gather with arange(N)
    x = jnp.take(emb, jnp.arange(n_nodes), axis=0)
    h = _sage_conv(x, src, dst, n_nodes, W1_self, W1_neigh, b1)
    h = jax.nn.leaky_relu(h, negative_slope=0.2)
    # dropout is identity in eval/reference mode
    h = _sage_conv(h, src, dst, n_nodes, W2_self, W2_neigh, b2)
    return h

if __name__ == "__main__":
    import jax
    _d = setup_inputs()
    print(jax.jit(kernel)(*tuple(_d.values())))

</pallas_src>

<mosaic_0001>
#map = affine_map<(d0, d1) -> (0, 0)>
#map1 = affine_map<(d0, d1) -> (0, 0, 0, 0)>
#map2 = affine_map<(d0, d1) -> (0, 0, 0)>
module attributes {stable_mosaic.version = 14 : i64} {
  func.func @_sc_agg_body(%arg0: i32, %arg1: i32, %arg2: memref<10000x128xf32, #tpu.memory_space<hbm>>, %arg3: memref<32x79x2x128xi32, #tpu.memory_space<hbm>>, %arg4: memref<128x128xf32, #tpu.memory_space<hbm>>, %arg5: memref<2x10240x128xf32, #tpu.memory_space<hbm>>, %arg6: memref<10240x128xf32, #tpu.memory_space<vmem_shared>>, %arg7: memref<2x128xi32, #tpu.memory_space<vmem>>, %arg8: memref<128x128xf32, #tpu.memory_space<vmem>>, %arg9: memref<!tpu.dma_semaphore, #tpu.memory_space<semaphore_mem>>) attributes {dimension_semantics = [#tpu.dimension_semantics<core_parallel>, #tpu.dimension_semantics<subcore_parallel>], iteration_bounds = array<i64: 2, 16>, scalar_prefetch = 0 : i64, scratch_operands = 4 : i64, tpu.core_type = #tpu.core_type<sc_vector_subcore>, window_params = [{transform_indices = #map}, {transform_indices = #map1}, {transform_indices = #map}, {transform_indices = #map2}]} {
    %mul3A = arith.constant 16 : i32
    %mul3A_0 = arith.muli %arg0, %mul3A : i32
    %add3A = arith.addi %mul3A_0, %arg1 : i32
    %mul3A_1 = arith.constant 640 : i32
    %mul3A_2 = arith.muli %arg1, %mul3A_1 : i32
    "tpu.region"() ({
      %run_scoped3A = tpu.sem_alloc : memref<!tpu.dma_semaphore, #tpu.memory_space<semaphore_mem>>
      tpu.enqueue_dma source(%arg4 : memref<128x128xf32, #tpu.memory_space<hbm>>) target(%arg8 : memref<128x128xf32, #tpu.memory_space<vmem>>) target_semaphore(%run_scoped3A : memref<!tpu.dma_semaphore, #tpu.memory_space<semaphore_mem>>)
      tpu.wait_dma2 semaphore(%run_scoped3A : memref<!tpu.dma_semaphore, #tpu.memory_space<semaphore_mem>>) src(%arg4 : memref<128x128xf32, #tpu.memory_space<hbm>>) dst(%arg8 : memref<128x128xf32, #tpu.memory_space<vmem>>)
      tpu.yield
    }) : () -> ()
    %add3A_3 = arith.constant 0 : i32
    %add3A_4 = arith.addi %mul3A_2, %add3A_3 : i32
    "tpu.region"() ({
      %run_scoped3A = tpu.sem_alloc : memref<!tpu.dma_semaphore, #tpu.memory_space<semaphore_mem>>
      %dma_start3A = arith.constant 0 : i32
      %dma_start3A_39 = tpu.memref_slice %arg6[%add3A_4, %dma_start3A] : memref<10240x128xf32, #tpu.memory_space<vmem_shared>> -> memref<128x128xf32, #tpu.memory_space<vmem_shared>>
      %dma_start3A_40 = arith.constant 0 : i32
      %dma_start3A_41 = tpu.memref_slice %arg6[%add3A_4, %dma_start3A_40] : memref<10240x128xf32, #tpu.memory_space<vmem_shared>> -> memref<128x128xf32, #tpu.memory_space<vmem_shared>>
      tpu.enqueue_dma source(%arg8 : memref<128x128xf32, #tpu.memory_space<vmem>>) target(%dma_start3A_41 : memref<128x128xf32, #tpu.memory_space<vmem_shared>>) target_semaphore(%run_scoped3A : memref<!tpu.dma_semaphore, #tpu.memory_space<semaphore_mem>>)
      %dma_wait3A = arith.constant 0 : i32
      %dma_wait3A_42 = tpu.memref_slice %arg6[%add3A_4, %dma_wait3A] : memref<10240x128xf32, #tpu.memory_space<vmem_shared>> -> memref<128x128xf32, #tpu.memory_space<vmem_shared>>
      %dma_wait3A_43 = arith.constant 0 : i32
      %dma_wait3A_44 = tpu.memref_slice %arg6[%add3A_4, %dma_wait3A_43] : memref<10240x128xf32, #tpu.memory_space<vmem_shared>> -> memref<128x128xf32, #tpu.memory_space<vmem_shared>>
      tpu.wait_dma2 semaphore(%run_scoped3A : memref<!tpu.dma_semaphore, #tpu.memory_space<semaphore_mem>>) src(%arg8 : memref<128x128xf32, #tpu.memory_space<vmem>>) dst(%dma_wait3A_44 : memref<128x128xf32, #tpu.memory_space<vmem_shared>>)
      tpu.yield
    }) : () -> ()
    %add3A_5 = arith.constant 128 : i32
    %add3A_6 = arith.addi %mul3A_2, %add3A_5 : i32
    "tpu.region"() ({
      %run_scoped3A = tpu.sem_alloc : memref<!tpu.dma_semaphore, #tpu.memory_space<semaphore_mem>>
      %dma_start3A = arith.constant 0 : i32
      %dma_start3A_39 = tpu.memref_slice %arg6[%add3A_6, %dma_start3A] : memref<10240x128xf32, #tpu.memory_space<vmem_shared>> -> memref<128x128xf32, #tpu.memory_space<vmem_shared>>
      %dma_start3A_40 = arith.constant 0 : i32
      %dma_start3A_41 = tpu.memref_slice %arg6[%add3A_6, %dma_start3A_40] : memref<10240x128xf32, #tpu.memory_space<vmem_shared>> -> memref<128x128xf32, #tpu.memory_space<vmem_shared>>
      tpu.enqueue_dma source(%arg8 : memref<128x128xf32, #tpu.memory_space<vmem>>) target(%dma_start3A_41 : memref<128x128xf32, #tpu.memory_space<vmem_shared>>) target_semaphore(%run_scoped3A : memref<!tpu.dma_semaphore, #tpu.memory_space<semaphore_mem>>)
      %dma_wait3A = arith.constant 0 : i32
      %dma_wait3A_42 = tpu.memref_slice %arg6[%add3A_6, %dma_wait3A] : memref<10240x128xf32, #tpu.memory_space<vmem_shared>> -> memref<128x128xf32, #tpu.memory_space<vmem_shared>>
      %dma_wait3A_43 = arith.constant 0 : i32
      %dma_wait3A_44 = tpu.memref_slice %arg6[%add3A_6, %dma_wait3A_43] : memref<10240x128xf32, #tpu.memory_space<vmem_shared>> -> memref<128x128xf32, #tpu.memory_space<vmem_shared>>
      tpu.wait_dma2 semaphore(%run_scoped3A : memref<!tpu.dma_semaphore, #tpu.memory_space<semaphore_mem>>) src(%arg8 : memref<128x128xf32, #tpu.memory_space<vmem>>) dst(%dma_wait3A_44 : memref<128x128xf32, #tpu.memory_space<vmem_shared>>)
      tpu.yield
    }) : () -> ()
    %add3A_7 = arith.constant 256 : i32
    %add3A_8 = arith.addi %mul3A_2, %add3A_7 : i32
    "tpu.region"() ({
      %run_scoped3A = tpu.sem_alloc : memref<!tpu.dma_semaphore, #tpu.memory_space<semaphore_mem>>
      %dma_start3A = arith.constant 0 : i32
      %dma_start3A_39 = tpu.memref_slice %arg6[%add3A_8, %dma_start3A] : memref<10240x128xf32, #tpu.memory_space<vmem_shared>> -> memref<128x128xf32, #tpu.memory_space<vmem_shared>>
      %dma_start3A_40 = arith.constant 0 : i32
      %dma_start3A_41 = tpu.memref_slice %arg6[%add3A_8, %dma_start3A_40] : memref<10240x128xf32, #tpu.memory_space<vmem_shared>> -> memref<128x128xf32, #tpu.memory_space<vmem_shared>>
      tpu.enqueue_dma source(%arg8 : memref<128x128xf32, #tpu.memory_space<vmem>>) target(%dma_start3A_41 : memref<128x128xf32, #tpu.memory_space<vmem_shared>>) target_semaphore(%run_scoped3A : memref<!tpu.dma_semaphore, #tpu.memory_space<semaphore_mem>>)
      %dma_wait3A = arith.constant 0 : i32
      %dma_wait3A_42 = tpu.memref_slice %arg6[%add3A_8, %dma_wait3A] : memref<10240x128xf32, #tpu.memory_space<vmem_shared>> -> memref<128x128xf32, #tpu.memory_space<vmem_shared>>
      %dma_wait3A_43 = arith.constant 0 : i32
      %dma_wait3A_44 = tpu.memref_slice %arg6[%add3A_8, %dma_wait3A_43] : memref<10240x128xf32, #tpu.memory_space<vmem_shared>> -> memref<128x128xf32, #tpu.memory_space<vmem_shared>>
      tpu.wait_dma2 semaphore(%run_scoped3A : memref<!tpu.dma_semaphore, #tpu.memory_space<semaphore_mem>>) src(%arg8 : memref<128x128xf32, #tpu.memory_space<vmem>>) dst(%dma_wait3A_44 : memref<128x128xf32, #tpu.memory_space<vmem_shared>>)
      tpu.yield
    }) : () -> ()
    %add3A_9 = arith.constant 384 : i32
    %add3A_10 = arith.addi %mul3A_2, %add3A_9 : i32
    "tpu.region"() ({
      %run_scoped3A = tpu.sem_alloc : memref<!tpu.dma_semaphore, #tpu.memory_space<semaphore_mem>>
      %dma_start3A = arith.constant 0 : i32
      %dma_start3A_39 = tpu.memref_slice %arg6[%add3A_10, %dma_start3A] : memref<10240x128xf32, #tpu.memory_space<vmem_shared>> -> memref<128x128xf32, #tpu.memory_space<vmem_shared>>
      %dma_start3A_40 = arith.constant 0 : i32
      %dma_start3A_41 = tpu.memref_slice %arg6[%add3A_10, %dma_start3A_40] : memref<10240x128xf32, #tpu.memory_space<vmem_shared>> -> memref<128x128xf32, #tpu.memory_space<vmem_shared>>
      tpu.enqueue_dma source(%arg8 : memref<128x128xf32, #tpu.memory_space<vmem>>) target(%dma_start3A_41 : memref<128x128xf32, #tpu.memory_space<vmem_shared>>) target_semaphore(%run_scoped3A : memref<!tpu.dma_semaphore, #tpu.memory_space<semaphore_mem>>)
      %dma_wait3A = arith.constant 0 : i32
      %dma_wait3A_42 = tpu.memref_slice %arg6[%add3A_10, %dma_wait3A] : memref<10240x128xf32, #tpu.memory_space<vmem_shared>> -> memref<128x128xf32, #tpu.memory_space<vmem_shared>>
      %dma_wait3A_43 = arith.constant 0 : i32
      %dma_wait3A_44 = tpu.memref_slice %arg6[%add3A_10, %dma_wait3A_43] : memref<10240x128xf32, #tpu.memory_space<vmem_shared>> -> memref<128x128xf32, #tpu.memory_space<vmem_shared>>
      tpu.wait_dma2 semaphore(%run_scoped3A : memref<!tpu.dma_semaphore, #tpu.memory_space<semaphore_mem>>) src(%arg8 : memref<128x128xf32, #tpu.memory_space<vmem>>) dst(%dma_wait3A_44 : memref<128x128xf32, #tpu.memory_space<vmem_shared>>)
      tpu.yield
    }) : () -> ()
    %add3A_11 = arith.constant 512 : i32
    %add3A_12 = arith.addi %mul3A_2, %add3A_11 : i32
    "tpu.region"() ({
      %run_scoped3A = tpu.sem_alloc : memref<!tpu.dma_semaphore, #tpu.memory_space<semaphore_mem>>
      %dma_start3A = arith.constant 0 : i32
      %dma_start3A_39 = tpu.memref_slice %arg6[%add3A_12, %dma_start3A] : memref<10240x128xf32, #tpu.memory_space<vmem_shared>> -> memref<128x128xf32, #tpu.memory_space<vmem_shared>>
      %dma_start3A_40 = arith.constant 0 : i32
      %dma_start3A_41 = tpu.memref_slice %arg6[%add3A_12, %dma_start3A_40] : memref<10240x128xf32, #tpu.memory_space<vmem_shared>> -> memref<128x128xf32, #tpu.memory_space<vmem_shared>>
      tpu.enqueue_dma source(%arg8 : memref<128x128xf32, #tpu.memory_space<vmem>>) target(%dma_start3A_41 : memref<128x128xf32, #tpu.memory_space<vmem_shared>>) target_semaphore(%run_scoped3A : memref<!tpu.dma_semaphore, #tpu.memory_space<semaphore_mem>>)
      %dma_wait3A = arith.constant 0 : i32
      %dma_wait3A_42 = tpu.memref_slice %arg6[%add3A_12, %dma_wait3A] : memref<10240x128xf32, #tpu.memory_space<vmem_shared>> -> memref<128x128xf32, #tpu.memory_space<vmem_shared>>
      %dma_wait3A_43 = arith.constant 0 : i32
      %dma_wait3A_44 = tpu.memref_slice %arg6[%add3A_12, %dma_wait3A_43] : memref<10240x128xf32, #tpu.memory_space<vmem_shared>> -> memref<128x128xf32, #tpu.memory_space<vmem_shared>>
      tpu.wait_dma2 semaphore(%run_scoped3A : memref<!tpu.dma_semaphore, #tpu.memory_space<semaphore_mem>>) src(%arg8 : memref<128x128xf32, #tpu.memory_space<vmem>>) dst(%dma_wait3A_44 : memref<128x128xf32, #tpu.memory_space<vmem_shared>>)
      tpu.yield
    }) : () -> ()
    %barrier3A = arith.constant 0 : index
    tpu.barrier barrier_id(%barrier3A)
    %scan3A = arith.constant 0 : i32
    %scan3A_13 = arith.constant 0 : i32
    %scan3A_14 = arith.constant 79 : i32
    %scan3A_15 = arith.addi %scan3A_13, %scan3A_14 : i32
    %scan3A_16 = arith.constant 1 : i32
    scf.for %scan3A_39 = %scan3A_13 to %scan3A_15 step %scan3A_16  : i32 {
      "tpu.region"() ({
        %run_scoped3A_52 = tpu.sem_alloc : memref<!tpu.dma_semaphore, #tpu.memory_space<semaphore_mem>>
        %dma_start3A_53 = arith.constant 0 : i32
        %dma_start3A_54 = arith.constant 0 : i32
        %dma_start3A_55 = tpu.memref_slice %arg3[%add3A, %scan3A_39, %dma_start3A_53, %dma_start3A_54] : memref<32x79x2x128xi32, #tpu.memory_space<hbm>> -> memref<1x1x2x128xi32, #tpu.memory_space<hbm>>
        %dma_start3A_56 = tpu.memref_squeeze %dma_start3A_55 : memref<1x1x2x128xi32, #tpu.memory_space<hbm>> -> memref<2x128xi32, #tpu.memory_space<hbm>>
        %dma_start3A_57 = arith.constant 0 : i32
        %dma_start3A_58 = arith.constant 0 : i32
        %dma_start3A_59 = tpu.memref_slice %arg3[%add3A, %scan3A_39, %dma_start3A_57, %dma_start3A_58] : memref<32x79x2x128xi32, #tpu.memory_space<hbm>> -> memref<1x1x2x128xi32, #tpu.memory_space<hbm>>
        %dma_start3A_60 = tpu.memref_squeeze %dma_start3A_59 : memref<1x1x2x128xi32, #tpu.memory_space<hbm>> -> memref<2x128xi32, #tpu.memory_space<hbm>>
        tpu.enqueue_dma source(%dma_start3A_60 : memref<2x128xi32, #tpu.memory_space<hbm>>) target(%arg7 : memref<2x128xi32, #tpu.memory_space<vmem>>) target_semaphore(%run_scoped3A_52 : memref<!tpu.dma_semaphore, #tpu.memory_space<semaphore_mem>>)
        %dma_wait3A_61 = arith.constant 0 : i32
        %dma_wait3A_62 = arith.constant 0 : i32
        %dma_wait3A_63 = tpu.memref_slice %arg3[%add3A, %scan3A_39, %dma_wait3A_61, %dma_wait3A_62] : memref<32x79x2x128xi32, #tpu.memory_space<hbm>> -> memref<1x1x2x128xi32, #tpu.memory_space<hbm>>
        %dma_wait3A_64 = tpu.memref_squeeze %dma_wait3A_63 : memref<1x1x2x128xi32, #tpu.memory_space<hbm>> -> memref<2x128xi32, #tpu.memory_space<hbm>>
        %dma_wait3A_65 = arith.constant 0 : i32
        %dma_wait3A_66 = arith.constant 0 : i32
        %dma_wait3A_67 = tpu.memref_slice %arg3[%add3A, %scan3A_39, %dma_wait3A_65, %dma_wait3A_66] : memref<32x79x2x128xi32, #tpu.memory_space<hbm>> -> memref<1x1x2x128xi32, #tpu.memory_space<hbm>>
        %dma_wait3A_68 = tpu.memref_squeeze %dma_wait3A_67 : memref<1x1x2x128xi32, #tpu.memory_space<hbm>> -> memref<2x128xi32, #tpu.memory_space<hbm>>
        tpu.wait_dma2 semaphore(%run_scoped3A_52 : memref<!tpu.dma_semaphore, #tpu.memory_space<semaphore_mem>>) src(%dma_wait3A_68 : memref<2x128xi32, #tpu.memory_space<hbm>>) dst(%arg7 : memref<2x128xi32, #tpu.memory_space<vmem>>)
        tpu.yield
      }) : () -> ()
      %dma_start3A = arith.constant 0 : i32
      %dma_start3A_40 = arith.constant 0 : i32
      %dma_start3A_41 = tpu.memref_slice %arg7[%dma_start3A, %dma_start3A_40] : memref<2x128xi32, #tpu.memory_space<vmem>> -> memref<1x128xi32, #tpu.memory_space<vmem>>
      %dma_start3A_42 = tpu.memref_squeeze %dma_start3A_41 : memref<1x128xi32, #tpu.memory_space<vmem>> -> memref<128xi32, #tpu.memory_space<vmem>>
      %dma_start3A_43 = arith.constant 0 : i32
      %dma_start3A_44 = arith.constant 0 : i32
      %dma_start3A_45 = tpu.memref_slice %arg2[%dma_start3A_43, %dma_start3A_44] : memref<10000x128xf32, #tpu.memory_space<hbm>> -> memref<10000x128xf32, #tpu.memory_space<hbm>>
      tpu.enqueue_indirect_dma source(%dma_start3A_45 : memref<10000x128xf32, #tpu.memory_space<hbm>>) target(%arg8 : memref<128x128xf32, #tpu.memory_space<vmem>>) offsets(%dma_start3A_42 : memref<128xi32, #tpu.memory_space<vmem>>) semaphore(%arg9 : memref<!tpu.dma_semaphore, #tpu.memory_space<semaphore_mem>>)
      %dma_wait3A = arith.constant 0 : i32
      %dma_wait3A_46 = arith.constant 0 : i32
      %dma_wait3A_47 = tpu.memref_slice %arg7[%dma_wait3A, %dma_wait3A_46] : memref<2x128xi32, #tpu.memory_space<vmem>> -> memref<1x128xi32, #tpu.memory_space<vmem>>
      %dma_wait3A_48 = tpu.memref_squeeze %dma_wait3A_47 : memref<1x128xi32, #tpu.memory_space<vmem>> -> memref<128xi32, #tpu.memory_space<vmem>>
      %dma_wait3A_49 = arith.constant 0 : i32
      %dma_wait3A_50 = arith.constant 0 : i32
      %dma_wait3A_51 = tpu.memref_slice %arg2[%dma_wait3A_49, %dma_wait3A_50] : memref<10000x128xf32, #tpu.memory_space<hbm>> -> memref<10000x128xf32, #tpu.memory_space<hbm>>
      tpu.wait_indirect_dma semaphore(%arg9 : memref<!tpu.dma_semaphore, #tpu.memory_space<semaphore_mem>>) src(%dma_wait3A_51 : memref<10000x128xf32, #tpu.memory_space<hbm>>) dst(%arg8 : memref<128x128xf32, #tpu.memory_space<vmem>>)
      %run_scoped3A = arith.constant 1 : i32
      "tpu.region"() ({
        %run_scoped3A_52 = tpu.sem_alloc : memref<!tpu.dma_semaphore, #tpu.memory_space<semaphore_mem>>
        %dma_start3A_53 = arith.constant 0 : i32
        %dma_start3A_54 = tpu.memref_slice %arg7[%run_scoped3A, %dma_start3A_53] : memref<2x128xi32, #tpu.memory_space<vmem>> -> memref<1x128xi32, #tpu.memory_space<vmem>>
        %dma_start3A_55 = tpu.memref_squeeze %dma_start3A_54 : memref<1x128xi32, #tpu.memory_space<vmem>> -> memref<128xi32, #tpu.memory_space<vmem>>
        %dma_start3A_56 = arith.constant 0 : i32
        %dma_start3A_57 = arith.constant 0 : i32
        %dma_start3A_58 = tpu.memref_slice %arg6[%dma_start3A_56, %dma_start3A_57] : memref<10240x128xf32, #tpu.memory_space<vmem_shared>> -> memref<10240x128xf32, #tpu.memory_space<vmem_shared>>
        tpu.enqueue_indirect_dma source(%arg8 : memref<128x128xf32, #tpu.memory_space<vmem>>) target(%dma_start3A_58 : memref<10240x128xf32, #tpu.memory_space<vmem_shared>>) offsets(%dma_start3A_55 : memref<128xi32, #tpu.memory_space<vmem>>) semaphore(%run_scoped3A_52 : memref<!tpu.dma_semaphore, #tpu.memory_space<semaphore_mem>>) {add = true}
        %dma_wait3A_59 = arith.constant 0 : i32
        %dma_wait3A_60 = tpu.memref_slice %arg7[%run_scoped3A, %dma_wait3A_59] : memref<2x128xi32, #tpu.memory_space<vmem>> -> memref<1x128xi32, #tpu.memory_space<vmem>>
        %dma_wait3A_61 = tpu.memref_squeeze %dma_wait3A_60 : memref<1x128xi32, #tpu.memory_space<vmem>> -> memref<128xi32, #tpu.memory_space<vmem>>
        %dma_wait3A_62 = arith.constant 0 : i32
        %dma_wait3A_63 = arith.constant 0 : i32
        %dma_wait3A_64 = tpu.memref_slice %arg6[%dma_wait3A_62, %dma_wait3A_63] : memref<10240x128xf32, #tpu.memory_space<vmem_shared>> -> memref<10240x128xf32, #tpu.memory_space<vmem_shared>>
        tpu.wait_indirect_dma semaphore(%run_scoped3A_52 : memref<!tpu.dma_semaphore, #tpu.memory_space<semaphore_mem>>) src(%arg8 : memref<128x128xf32, #tpu.memory_space<vmem>>) dst(%dma_wait3A_64 : memref<10240x128xf32, #tpu.memory_space<vmem_shared>>)
        tpu.yield
      }) : () -> ()
    }
    %scan3A_17 = arith.constant 79 : i32
    %barrier3A_18 = arith.constant 0 : index
    tpu.barrier barrier_id(%barrier3A_18)
    %add3A_19 = arith.constant 0 : i32
    %add3A_20 = arith.addi %mul3A_2, %add3A_19 : i32
    "tpu.region"() ({
      %run_scoped3A = tpu.sem_alloc : memref<!tpu.dma_semaphore, #tpu.memory_space<semaphore_mem>>
      %dma_start3A = arith.constant 0 : i32
      %dma_start3A_39 = tpu.memref_slice %arg6[%add3A_20, %dma_start3A] : memref<10240x128xf32, #tpu.memory_space<vmem_shared>> -> memref<128x128xf32, #tpu.memory_space<vmem_shared>>
      %dma_start3A_40 = arith.constant 0 : i32
      %dma_start3A_41 = tpu.memref_slice %arg6[%add3A_20, %dma_start3A_40] : memref<10240x128xf32, #tpu.memory_space<vmem_shared>> -> memref<128x128xf32, #tpu.memory_space<vmem_shared>>
      tpu.enqueue_dma source(%dma_start3A_41 : memref<128x128xf32, #tpu.memory_space<vmem_shared>>) target(%arg8 : memref<128x128xf32, #tpu.memory_space<vmem>>) target_semaphore(%run_scoped3A : memref<!tpu.dma_semaphore, #tpu.memory_space<semaphore_mem>>)
      %dma_wait3A = arith.constant 0 : i32
      %dma_wait3A_42 = tpu.memref_slice %arg6[%add3A_20, %dma_wait3A] : memref<10240x128xf32, #tpu.memory_space<vmem_shared>> -> memref<128x128xf32, #tpu.memory_space<vmem_shared>>
      %dma_wait3A_43 = arith.constant 0 : i32
      %dma_wait3A_44 = tpu.memref_slice %arg6[%add3A_20, %dma_wait3A_43] : memref<10240x128xf32, #tpu.memory_space<vmem_shared>> -> memref<128x128xf32, #tpu.memory_space<vmem_shared>>
      tpu.wait_dma2 semaphore(%run_scoped3A : memref<!tpu.dma_semaphore, #tpu.memory_space<semaphore_mem>>) src(%dma_wait3A_44 : memref<128x128xf32, #tpu.memory_space<vmem_shared>>) dst(%arg8 : memref<128x128xf32, #tpu.memory_space<vmem>>)
      tpu.yield
    }) : () -> ()
    %add3A_21 = arith.constant 0 : i32
    %add3A_22 = arith.addi %mul3A_2, %add3A_21 : i32
    "tpu.region"() ({
      %run_scoped3A = tpu.sem_alloc : memref<!tpu.dma_semaphore, #tpu.memory_space<semaphore_mem>>
      %dma_start3A = arith.constant 0 : i32
      %dma_start3A_39 = arith.constant 0 : i32
      %dma_start3A_40 = tpu.memref_slice %arg5[%arg0, %dma_start3A, %dma_start3A_39] : memref<2x10240x128xf32, #tpu.memory_space<hbm>> -> memref<1x10240x128xf32, #tpu.memory_space<hbm>>
      %dma_start3A_41 = tpu.memref_squeeze %dma_start3A_40 : memref<1x10240x128xf32, #tpu.memory_space<hbm>> -> memref<10240x128xf32, #tpu.memory_space<hbm>>
      %dma_start3A_42 = arith.constant 0 : i32
      %dma_start3A_43 = tpu.memref_slice %dma_start3A_41[%add3A_22, %dma_start3A_42] : memref<10240x128xf32, #tpu.memory_space<hbm>> -> memref<128x128xf32, #tpu.memory_space<hbm>>
      %dma_start3A_44 = arith.constant 0 : i32
      %dma_start3A_45 = arith.constant 0 : i32
      %dma_start3A_46 = tpu.memref_slice %arg5[%arg0, %dma_start3A_44, %dma_start3A_45] : memref<2x10240x128xf32, #tpu.memory_space<hbm>> -> memref<1x10240x128xf32, #tpu.memory_space<hbm>>
      %dma_start3A_47 = tpu.memref_squeeze %dma_start3A_46 : memref<1x10240x128xf32, #tpu.memory_space<hbm>> -> memref<10240x128xf32, #tpu.memory_space<hbm>>
      %dma_start3A_48 = arith.constant 0 : i32
      %dma_start3A_49 = tpu.memref_slice %dma_start3A_47[%add3A_22, %dma_start3A_48] : memref<10240x128xf32, #tpu.memory_space<hbm>> -> memref<128x128xf32, #tpu.memory_space<hbm>>
      tpu.enqueue_dma source(%arg8 : memref<128x128xf32, #tpu.memory_space<vmem>>) target(%dma_start3A_49 : memref<128x128xf32, #tpu.memory_space<hbm>>) target_semaphore(%run_scoped3A : memref<!tpu.dma_semaphore, #tpu.memory_space<semaphore_mem>>)
      %dma_wait3A = arith.constant 0 : i32
      %dma_wait3A_50 = arith.constant 0 : i32
      %dma_wait3A_51 = tpu.memref_slice %arg5[%arg0, %dma_wait3A, %dma_wait3A_50] : memref<2x10240x128xf32, #tpu.memory_space<hbm>> -> memref<1x10240x128xf32, #tpu.memory_space<hbm>>
      %dma_wait3A_52 = tpu.memref_squeeze %dma_wait3A_51 : memref<1x10240x128xf32, #tpu.memory_space<hbm>> -> memref<10240x128xf32, #tpu.memory_space<hbm>>
      %dma_wait3A_53 = arith.constant 0 : i32
      %dma_wait3A_54 = tpu.memref_slice %dma_wait3A_52[%add3A_22, %dma_wait3A_53] : memref<10240x128xf32, #tpu.memory_space<hbm>> -> memref<128x128xf32, #tpu.memory_space<hbm>>
      %dma_wait3A_55 = arith.constant 0 : i32
      %dma_wait3A_56 = arith.constant 0 : i32
      %dma_wait3A_57 = tpu.memref_slice %arg5[%arg0, %dma_wait3A_55, %dma_wait3A_56] : memref<2x10240x128xf32, #tpu.memory_space<hbm>> -> memref<1x10240x128xf32, #tpu.memory_space<hbm>>
      %dma_wait3A_58 = tpu.memref_squeeze %dma_wait3A_57 : memref<1x10240x128xf32, #tpu.memory_space<hbm>> -> memref<10240x128xf32, #tpu.memory_space<hbm>>
      %dma_wait3A_59 = arith.constant 0 : i32
      %dma_wait3A_60 = tpu.memref_slice %dma_wait3A_58[%add3A_22, %dma_wait3A_59] : memref<10240x128xf32, #tpu.memory_space<hbm>> -> memref<128x128xf32, #tpu.memory_space<hbm>>
      tpu.wait_dma2 semaphore(%run_scoped3A : memref<!tpu.dma_semaphore, #tpu.memory_space<semaphore_mem>>) src(%arg8 : memref<128x128xf32, #tpu.memory_space<vmem>>) dst(%dma_wait3A_60 : memref<128x128xf32, #tpu.memory_space<hbm>>)
      tpu.yield
    }) : () -> ()
    %add3A_23 = arith.constant 128 : i32
    %add3A_24 = arith.addi %mul3A_2, %add3A_23 : i32
    "tpu.region"() ({
      %run_scoped3A = tpu.sem_alloc : memref<!tpu.dma_semaphore, #tpu.memory_space<semaphore_mem>>
      %dma_start3A = arith.constant 0 : i32
      %dma_start3A_39 = tpu.memref_slice %arg6[%add3A_24, %dma_start3A] : memref<10240x128xf32, #tpu.memory_space<vmem_shared>> -> memref<128x128xf32, #tpu.memory_space<vmem_shared>>
      %dma_start3A_40 = arith.constant 0 : i32
      %dma_start3A_41 = tpu.memref_slice %arg6[%add3A_24, %dma_start3A_40] : memref<10240x128xf32, #tpu.memory_space<vmem_shared>> -> memref<128x128xf32, #tpu.memory_space<vmem_shared>>
      tpu.enqueue_dma source(%dma_start3A_41 : memref<128x128xf32, #tpu.memory_space<vmem_shared>>) target(%arg8 : memref<128x128xf32, #tpu.memory_space<vmem>>) target_semaphore(%run_scoped3A : memref<!tpu.dma_semaphore, #tpu.memory_space<semaphore_mem>>)
      %dma_wait3A = arith.constant 0 : i32
      %dma_wait3A_42 = tpu.memref_slice %arg6[%add3A_24, %dma_wait3A] : memref<10240x128xf32, #tpu.memory_space<vmem_shared>> -> memref<128x128xf32, #tpu.memory_space<vmem_shared>>
      %dma_wait3A_43 = arith.constant 0 : i32
      %dma_wait3A_44 = tpu.memref_slice %arg6[%add3A_24, %dma_wait3A_43] : memref<10240x128xf32, #tpu.memory_space<vmem_shared>> -> memref<128x128xf32, #tpu.memory_space<vmem_shared>>
      tpu.wait_dma2 semaphore(%run_scoped3A : memref<!tpu.dma_semaphore, #tpu.memory_space<semaphore_mem>>) src(%dma_wait3A_44 : memref<128x128xf32, #tpu.memory_space<vmem_shared>>) dst(%arg8 : memref<128x128xf32, #tpu.memory_space<vmem>>)
      tpu.yield
    }) : () -> ()
    %add3A_25 = arith.constant 128 : i32
    %add3A_26 = arith.addi %mul3A_2, %add3A_25 : i32
    "tpu.region"() ({
      %run_scoped3A = tpu.sem_alloc : memref<!tpu.dma_semaphore, #tpu.memory_space<semaphore_mem>>
      %dma_start3A = arith.constant 0 : i32
      %dma_start3A_39 = arith.constant 0 : i32
      %dma_start3A_40 = tpu.memref_slice %arg5[%arg0, %dma_start3A, %dma_start3A_39] : memref<2x10240x128xf32, #tpu.memory_space<hbm>> -> memref<1x10240x128xf32, #tpu.memory_space<hbm>>
      %dma_start3A_41 = tpu.memref_squeeze %dma_start3A_40 : memref<1x10240x128xf32, #tpu.memory_space<hbm>> -> memref<10240x128xf32, #tpu.memory_space<hbm>>
      %dma_start3A_42 = arith.constant 0 : i32
      %dma_start3A_43 = tpu.memref_slice %dma_start3A_41[%add3A_26, %dma_start3A_42] : memref<10240x128xf32, #tpu.memory_space<hbm>> -> memref<128x128xf32, #tpu.memory_space<hbm>>
      %dma_start3A_44 = arith.constant 0 : i32
      %dma_start3A_45 = arith.constant 0 : i32
      %dma_start3A_46 = tpu.memref_slice %arg5[%arg0, %dma_start3A_44, %dma_start3A_45] : memref<2x10240x128xf32, #tpu.memory_space<hbm>> -> memref<1x10240x128xf32, #tpu.memory_space<hbm>>
      %dma_start3A_47 = tpu.memref_squeeze %dma_start3A_46 : memref<1x10240x128xf32, #tpu.memory_space<hbm>> -> memref<10240x128xf32, #tpu.memory_space<hbm>>
      %dma_start3A_48 = arith.constant 0 : i32
      %dma_start3A_49 = tpu.memref_slice %dma_start3A_47[%add3A_26, %dma_start3A_48] : memref<10240x128xf32, #tpu.memory_space<hbm>> -> memref<128x128xf32, #tpu.memory_space<hbm>>
      tpu.enqueue_dma source(%arg8 : memref<128x128xf32, #tpu.memory_space<vmem>>) target(%dma_start3A_49 : memref<128x128xf32, #tpu.memory_space<hbm>>) target_semaphore(%run_scoped3A : memref<!tpu.dma_semaphore, #tpu.memory_space<semaphore_mem>>)
      %dma_wait3A = arith.constant 0 : i32
      %dma_wait3A_50 = arith.constant 0 : i32
      %dma_wait3A_51 = tpu.memref_slice %arg5[%arg0, %dma_wait3A, %dma_wait3A_50] : memref<2x10240x128xf32, #tpu.memory_space<hbm>> -> memref<1x10240x128xf32, #tpu.memory_space<hbm>>
      %dma_wait3A_52 = tpu.memref_squeeze %dma_wait3A_51 : memref<1x10240x128xf32, #tpu.memory_space<hbm>> -> memref<10240x128xf32, #tpu.memory_space<hbm>>
      %dma_wait3A_53 = arith.constant 0 : i32
      %dma_wait3A_54 = tpu.memref_slice %dma_wait3A_52[%add3A_26, %dma_wait3A_53] : memref<10240x128xf32, #tpu.memory_space<hbm>> -> memref<128x128xf32, #tpu.memory_space<hbm>>
      %dma_wait3A_55 = arith.constant 0 : i32
      %dma_wait3A_56 = arith.constant 0 : i32
      %dma_wait3A_57 = tpu.memref_slice %arg5[%arg0, %dma_wait3A_55, %dma_wait3A_56] : memref<2x10240x128xf32, #tpu.memory_space<hbm>> -> memref<1x10240x128xf32, #tpu.memory_space<hbm>>
      %dma_wait3A_58 = tpu.memref_squeeze %dma_wait3A_57 : memref<1x10240x128xf32, #tpu.memory_space<hbm>> -> memref<10240x128xf32, #tpu.memory_space<hbm>>
      %dma_wait3A_59 = arith.constant 0 : i32
      %dma_wait3A_60 = tpu.memref_slice %dma_wait3A_58[%add3A_26, %dma_wait3A_59] : memref<10240x128xf32, #tpu.memory_space<hbm>> -> memref<128x128xf32, #tpu.memory_space<hbm>>
      tpu.wait_dma2 semaphore(%run_scoped3A : memref<!tpu.dma_semaphore, #tpu.memory_space<semaphore_mem>>) src(%arg8 : memref<128x128xf32, #tpu.memory_space<vmem>>) dst(%dma_wait3A_60 : memref<128x128xf32, #tpu.memory_space<hbm>>)
      tpu.yield
    }) : () -> ()
    %add3A_27 = arith.constant 256 : i32
    %add3A_28 = arith.addi %mul3A_2, %add3A_27 : i32
    "tpu.region"() ({
      %run_scoped3A = tpu.sem_alloc : memref<!tpu.dma_semaphore, #tpu.memory_space<semaphore_mem>>
      %dma_start3A = arith.constant 0 : i32
      %dma_start3A_39 = tpu.memref_slice %arg6[%add3A_28, %dma_start3A] : memref<10240x128xf32, #tpu.memory_space<vmem_shared>> -> memref<128x128xf32, #tpu.memory_space<vmem_shared>>
      %dma_start3A_40 = arith.constant 0 : i32
      %dma_start3A_41 = tpu.memref_slice %arg6[%add3A_28, %dma_start3A_40] : memref<10240x128xf32, #tpu.memory_space<vmem_shared>> -> memref<128x128xf32, #tpu.memory_space<vmem_shared>>
      tpu.enqueue_dma source(%dma_start3A_41 : memref<128x128xf32, #tpu.memory_space<vmem_shared>>) target(%arg8 : memref<128x128xf32, #tpu.memory_space<vmem>>) target_semaphore(%run_scoped3A : memref<!tpu.dma_semaphore, #tpu.memory_space<semaphore_mem>>)
      %dma_wait3A = arith.constant 0 : i32
      %dma_wait3A_42 = tpu.memref_slice %arg6[%add3A_28, %dma_wait3A] : memref<10240x128xf32, #tpu.memory_space<vmem_shared>> -> memref<128x128xf32, #tpu.memory_space<vmem_shared>>
      %dma_wait3A_43 = arith.constant 0 : i32
      %dma_wait3A_44 = tpu.memref_slice %arg6[%add3A_28, %dma_wait3A_43] : memref<10240x128xf32, #tpu.memory_space<vmem_shared>> -> memref<128x128xf32, #tpu.memory_space<vmem_shared>>
      tpu.wait_dma2 semaphore(%run_scoped3A : memref<!tpu.dma_semaphore, #tpu.memory_space<semaphore_mem>>) src(%dma_wait3A_44 : memref<128x128xf32, #tpu.memory_space<vmem_shared>>) dst(%arg8 : memref<128x128xf32, #tpu.memory_space<vmem>>)
      tpu.yield
    }) : () -> ()
    %add3A_29 = arith.constant 256 : i32
    %add3A_30 = arith.addi %mul3A_2, %add3A_29 : i32
    "tpu.region"() ({
      %run_scoped3A = tpu.sem_alloc : memref<!tpu.dma_semaphore, #tpu.memory_space<semaphore_mem>>
      %dma_start3A = arith.constant 0 : i32
      %dma_start3A_39 = arith.constant 0 : i32
      %dma_start3A_40 = tpu.memref_slice %arg5[%arg0, %dma_start3A, %dma_start3A_39] : memref<2x10240x128xf32, #tpu.memory_space<hbm>> -> memref<1x10240x128xf32, #tpu.memory_space<hbm>>
      %dma_start3A_41 = tpu.memref_squeeze %dma_start3A_40 : memref<1x10240x128xf32, #tpu.memory_space<hbm>> -> memref<10240x128xf32, #tpu.memory_space<hbm>>
      %dma_start3A_42 = arith.constant 0 : i32
      %dma_start3A_43 = tpu.memref_slice %dma_start3A_41[%add3A_30, %dma_start3A_42] : memref<10240x128xf32, #tpu.memory_space<hbm>> -> memref<128x128xf32, #tpu.memory_space<hbm>>
      %dma_start3A_44 = arith.constant 0 : i32
      %dma_start3A_45 = arith.constant 0 : i32
      %dma_start3A_46 = tpu.memref_slice %arg5[%arg0, %dma_start3A_44, %dma_start3A_45] : memref<2x10240x128xf32, #tpu.memory_space<hbm>> -> memref<1x10240x128xf32, #tpu.memory_space<hbm>>
      %dma_start3A_47 = tpu.memref_squeeze %dma_start3A_46 : memref<1x10240x128xf32, #tpu.memory_space<hbm>> -> memref<10240x128xf32, #tpu.memory_space<hbm>>
      %dma_start3A_48 = arith.constant 0 : i32
      %dma_start3A_49 = tpu.memref_slice %dma_start3A_47[%add3A_30, %dma_start3A_48] : memref<10240x128xf32, #tpu.memory_space<hbm>> -> memref<128x128xf32, #tpu.memory_space<hbm>>
      tpu.enqueue_dma source(%arg8 : memref<128x128xf32, #tpu.memory_space<vmem>>) target(%dma_start3A_49 : memref<128x128xf32, #tpu.memory_space<hbm>>) target_semaphore(%run_scoped3A : memref<!tpu.dma_semaphore, #tpu.memory_space<semaphore_mem>>)
      %dma_wait3A = arith.constant 0 : i32
      %dma_wait3A_50 = arith.constant 0 : i32
      %dma_wait3A_51 = tpu.memref_slice %arg5[%arg0, %dma_wait3A, %dma_wait3A_50] : memref<2x10240x128xf32, #tpu.memory_space<hbm>> -> memref<1x10240x128xf32, #tpu.memory_space<hbm>>
      %dma_wait3A_52 = tpu.memref_squeeze %dma_wait3A_51 : memref<1x10240x128xf32, #tpu.memory_space<hbm>> -> memref<10240x128xf32, #tpu.memory_space<hbm>>
      %dma_wait3A_53 = arith.constant 0 : i32
      %dma_wait3A_54 = tpu.memref_slice %dma_wait3A_52[%add3A_30, %dma_wait3A_53] : memref<10240x128xf32, #tpu.memory_space<hbm>> -> memref<128x128xf32, #tpu.memory_space<hbm>>
      %dma_wait3A_55 = arith.constant 0 : i32
      %dma_wait3A_56 = arith.constant 0 : i32
      %dma_wait3A_57 = tpu.memref_slice %arg5[%arg0, %dma_wait3A_55, %dma_wait3A_56] : memref<2x10240x128xf32, #tpu.memory_space<hbm>> -> memref<1x10240x128xf32, #tpu.memory_space<hbm>>
      %dma_wait3A_58 = tpu.memref_squeeze %dma_wait3A_57 : memref<1x10240x128xf32, #tpu.memory_space<hbm>> -> memref<10240x128xf32, #tpu.memory_space<hbm>>
      %dma_wait3A_59 = arith.constant 0 : i32
      %dma_wait3A_60 = tpu.memref_slice %dma_wait3A_58[%add3A_30, %dma_wait3A_59] : memref<10240x128xf32, #tpu.memory_space<hbm>> -> memref<128x128xf32, #tpu.memory_space<hbm>>
      tpu.wait_dma2 semaphore(%run_scoped3A : memref<!tpu.dma_semaphore, #tpu.memory_space<semaphore_mem>>) src(%arg8 : memref<128x128xf32, #tpu.memory_space<vmem>>) dst(%dma_wait3A_60 : memref<128x128xf32, #tpu.memory_space<hbm>>)
      tpu.yield
    }) : () -> ()
    %add3A_31 = arith.constant 384 : i32
    %add3A_32 = arith.addi %mul3A_2, %add3A_31 : i32
    "tpu.region"() ({
      %run_scoped3A = tpu.sem_alloc : memref<!tpu.dma_semaphore, #tpu.memory_space<semaphore_mem>>
      %dma_start3A = arith.constant 0 : i32
      %dma_start3A_39 = tpu.memref_slice %arg6[%add3A_32, %dma_start3A] : memref<10240x128xf32, #tpu.memory_space<vmem_shared>> -> memref<128x128xf32, #tpu.memory_space<vmem_shared>>
      %dma_start3A_40 = arith.constant 0 : i32
      %dma_start3A_41 = tpu.memref_slice %arg6[%add3A_32, %dma_start3A_40] : memref<10240x128xf32, #tpu.memory_space<vmem_shared>> -> memref<128x128xf32, #tpu.memory_space<vmem_shared>>
      tpu.enqueue_dma source(%dma_start3A_41 : memref<128x128xf32, #tpu.memory_space<vmem_shared>>) target(%arg8 : memref<128x128xf32, #tpu.memory_space<vmem>>) target_semaphore(%run_scoped3A : memref<!tpu.dma_semaphore, #tpu.memory_space<semaphore_mem>>)
      %dma_wait3A = arith.constant 0 : i32
      %dma_wait3A_42 = tpu.memref_slice %arg6[%add3A_32, %dma_wait3A] : memref<10240x128xf32, #tpu.memory_space<vmem_shared>> -> memref<128x128xf32, #tpu.memory_space<vmem_shared>>
      %dma_wait3A_43 = arith.constant 0 : i32
      %dma_wait3A_44 = tpu.memref_slice %arg6[%add3A_32, %dma_wait3A_43] : memref<10240x128xf32, #tpu.memory_space<vmem_shared>> -> memref<128x128xf32, #tpu.memory_space<vmem_shared>>
      tpu.wait_dma2 semaphore(%run_scoped3A : memref<!tpu.dma_semaphore, #tpu.memory_space<semaphore_mem>>) src(%dma_wait3A_44 : memref<128x128xf32, #tpu.memory_space<vmem_shared>>) dst(%arg8 : memref<128x128xf32, #tpu.memory_space<vmem>>)
      tpu.yield
    }) : () -> ()
    %add3A_33 = arith.constant 384 : i32
    %add3A_34 = arith.addi %mul3A_2, %add3A_33 : i32
    "tpu.region"() ({
      %run_scoped3A = tpu.sem_alloc : memref<!tpu.dma_semaphore, #tpu.memory_space<semaphore_mem>>
      %dma_start3A = arith.constant 0 : i32
      %dma_start3A_39 = arith.constant 0 : i32
      %dma_start3A_40 = tpu.memref_slice %arg5[%arg0, %dma_start3A, %dma_start3A_39] : memref<2x10240x128xf32, #tpu.memory_space<hbm>> -> memref<1x10240x128xf32, #tpu.memory_space<hbm>>
      %dma_start3A_41 = tpu.memref_squeeze %dma_start3A_40 : memref<1x10240x128xf32, #tpu.memory_space<hbm>> -> memref<10240x128xf32, #tpu.memory_space<hbm>>
      %dma_start3A_42 = arith.constant 0 : i32
      %dma_start3A_43 = tpu.memref_slice %dma_start3A_41[%add3A_34, %dma_start3A_42] : memref<10240x128xf32, #tpu.memory_space<hbm>> -> memref<128x128xf32, #tpu.memory_space<hbm>>
      %dma_start3A_44 = arith.constant 0 : i32
      %dma_start3A_45 = arith.constant 0 : i32
      %dma_start3A_46 = tpu.memref_slice %arg5[%arg0, %dma_start3A_44, %dma_start3A_45] : memref<2x10240x128xf32, #tpu.memory_space<hbm>> -> memref<1x10240x128xf32, #tpu.memory_space<hbm>>
      %dma_start3A_47 = tpu.memref_squeeze %dma_start3A_46 : memref<1x10240x128xf32, #tpu.memory_space<hbm>> -> memref<10240x128xf32, #tpu.memory_space<hbm>>
      %dma_start3A_48 = arith.constant 0 : i32
      %dma_start3A_49 = tpu.memref_slice %dma_start3A_47[%add3A_34, %dma_start3A_48] : memref<10240x128xf32, #tpu.memory_space<hbm>> -> memref<128x128xf32, #tpu.memory_space<hbm>>
      tpu.enqueue_dma source(%arg8 : memref<128x128xf32, #tpu.memory_space<vmem>>) target(%dma_start3A_49 : memref<128x128xf32, #tpu.memory_space<hbm>>) target_semaphore(%run_scoped3A : memref<!tpu.dma_semaphore, #tpu.memory_space<semaphore_mem>>)
      %dma_wait3A = arith.constant 0 : i32
      %dma_wait3A_50 = arith.constant 0 : i32
      %dma_wait3A_51 = tpu.memref_slice %arg5[%arg0, %dma_wait3A, %dma_wait3A_50] : memref<2x10240x128xf32, #tpu.memory_space<hbm>> -> memref<1x10240x128xf32, #tpu.memory_space<hbm>>
      %dma_wait3A_52 = tpu.memref_squeeze %dma_wait3A_51 : memref<1x10240x128xf32, #tpu.memory_space<hbm>> -> memref<10240x128xf32, #tpu.memory_space<hbm>>
      %dma_wait3A_53 = arith.constant 0 : i32
      %dma_wait3A_54 = tpu.memref_slice %dma_wait3A_52[%add3A_34, %dma_wait3A_53] : memref<10240x128xf32, #tpu.memory_space<hbm>> -> memref<128x128xf32, #tpu.memory_space<hbm>>
      %dma_wait3A_55 = arith.constant 0 : i32
      %dma_wait3A_56 = arith.constant 0 : i32
      %dma_wait3A_57 = tpu.memref_slice %arg5[%arg0, %dma_wait3A_55, %dma_wait3A_56] : memref<2x10240x128xf32, #tpu.memory_space<hbm>> -> memref<1x10240x128xf32, #tpu.memory_space<hbm>>
      %dma_wait3A_58 = tpu.memref_squeeze %dma_wait3A_57 : memref<1x10240x128xf32, #tpu.memory_space<hbm>> -> memref<10240x128xf32, #tpu.memory_space<hbm>>
      %dma_wait3A_59 = arith.constant 0 : i32
      %dma_wait3A_60 = tpu.memref_slice %dma_wait3A_58[%add3A_34, %dma_wait3A_59] : memref<10240x128xf32, #tpu.memory_space<hbm>> -> memref<128x128xf32, #tpu.memory_space<hbm>>
      tpu.wait_dma2 semaphore(%run_scoped3A : memref<!tpu.dma_semaphore, #tpu.memory_space<semaphore_mem>>) src(%arg8 : memref<128x128xf32, #tpu.memory_space<vmem>>) dst(%dma_wait3A_60 : memref<128x128xf32, #tpu.memory_space<hbm>>)
      tpu.yield
    }) : () -> ()
    %add3A_35 = arith.constant 512 : i32
    %add3A_36 = arith.addi %mul3A_2, %add3A_35 : i32
    "tpu.region"() ({
      %run_scoped3A = tpu.sem_alloc : memref<!tpu.dma_semaphore, #tpu.memory_space<semaphore_mem>>
      %dma_start3A = arith.constant 0 : i32
      %dma_start3A_39 = tpu.memref_slice %arg6[%add3A_36, %dma_start3A] : memref<10240x128xf32, #tpu.memory_space<vmem_shared>> -> memref<128x128xf32, #tpu.memory_space<vmem_shared>>
      %dma_start3A_40 = arith.constant 0 : i32
      %dma_start3A_41 = tpu.memref_slice %arg6[%add3A_36, %dma_start3A_40] : memref<10240x128xf32, #tpu.memory_space<vmem_shared>> -> memref<128x128xf32, #tpu.memory_space<vmem_shared>>
      tpu.enqueue_dma source(%dma_start3A_41 : memref<128x128xf32, #tpu.memory_space<vmem_shared>>) target(%arg8 : memref<128x128xf32, #tpu.memory_space<vmem>>) target_semaphore(%run_scoped3A : memref<!tpu.dma_semaphore, #tpu.memory_space<semaphore_mem>>)
      %dma_wait3A = arith.constant 0 : i32
      %dma_wait3A_42 = tpu.memref_slice %arg6[%add3A_36, %dma_wait3A] : memref<10240x128xf32, #tpu.memory_space<vmem_shared>> -> memref<128x128xf32, #tpu.memory_space<vmem_shared>>
      %dma_wait3A_43 = arith.constant 0 : i32
      %dma_wait3A_44 = tpu.memref_slice %arg6[%add3A_36, %dma_wait3A_43] : memref<10240x128xf32, #tpu.memory_space<vmem_shared>> -> memref<128x128xf32, #tpu.memory_space<vmem_shared>>
      tpu.wait_dma2 semaphore(%run_scoped3A : memref<!tpu.dma_semaphore, #tpu.memory_space<semaphore_mem>>) src(%dma_wait3A_44 : memref<128x128xf32, #tpu.memory_space<vmem_shared>>) dst(%arg8 : memref<128x128xf32, #tpu.memory_space<vmem>>)
      tpu.yield
    }) : () -> ()
    %add3A_37 = arith.constant 512 : i32
    %add3A_38 = arith.addi %mul3A_2, %add3A_37 : i32
    "tpu.region"() ({
      %run_scoped3A = tpu.sem_alloc : memref<!tpu.dma_semaphore, #tpu.memory_space<semaphore_mem>>
      %dma_start3A = arith.constant 0 : i32
      %dma_start3A_39 = arith.constant 0 : i32
      %dma_start3A_40 = tpu.memref_slice %arg5[%arg0, %dma_start3A, %dma_start3A_39] : memref<2x10240x128xf32, #tpu.memory_space<hbm>> -> memref<1x10240x128xf32, #tpu.memory_space<hbm>>
      %dma_start3A_41 = tpu.memref_squeeze %dma_start3A_40 : memref<1x10240x128xf32, #tpu.memory_space<hbm>> -> memref<10240x128xf32, #tpu.memory_space<hbm>>
      %dma_start3A_42 = arith.constant 0 : i32
      %dma_start3A_43 = tpu.memref_slice %dma_start3A_41[%add3A_38, %dma_start3A_42] : memref<10240x128xf32, #tpu.memory_space<hbm>> -> memref<128x128xf32, #tpu.memory_space<hbm>>
      %dma_start3A_44 = arith.constant 0 : i32
      %dma_start3A_45 = arith.constant 0 : i32
      %dma_start3A_46 = tpu.memref_slice %arg5[%arg0, %dma_start3A_44, %dma_start3A_45] : memref<2x10240x128xf32, #tpu.memory_space<hbm>> -> memref<1x10240x128xf32, #tpu.memory_space<hbm>>
      %dma_start3A_47 = tpu.memref_squeeze %dma_start3A_46 : memref<1x10240x128xf32, #tpu.memory_space<hbm>> -> memref<10240x128xf32, #tpu.memory_space<hbm>>
      %dma_start3A_48 = arith.constant 0 : i32
      %dma_start3A_49 = tpu.memref_slice %dma_start3A_47[%add3A_38, %dma_start3A_48] : memref<10240x128xf32, #tpu.memory_space<hbm>> -> memref<128x128xf32, #tpu.memory_space<hbm>>
      tpu.enqueue_dma source(%arg8 : memref<128x128xf32, #tpu.memory_space<vmem>>) target(%dma_start3A_49 : memref<128x128xf32, #tpu.memory_space<hbm>>) target_semaphore(%run_scoped3A : memref<!tpu.dma_semaphore, #tpu.memory_space<semaphore_mem>>)
      %dma_wait3A = arith.constant 0 : i32
      %dma_wait3A_50 = arith.constant 0 : i32
      %dma_wait3A_51 = tpu.memref_slice %arg5[%arg0, %dma_wait3A, %dma_wait3A_50] : memref<2x10240x128xf32, #tpu.memory_space<hbm>> -> memref<1x10240x128xf32, #tpu.memory_space<hbm>>
      %dma_wait3A_52 = tpu.memref_squeeze %dma_wait3A_51 : memref<1x10240x128xf32, #tpu.memory_space<hbm>> -> memref<10240x128xf32, #tpu.memory_space<hbm>>
      %dma_wait3A_53 = arith.constant 0 : i32
      %dma_wait3A_54 = tpu.memref_slice %dma_wait3A_52[%add3A_38, %dma_wait3A_53] : memref<10240x128xf32, #tpu.memory_space<hbm>> -> memref<128x128xf32, #tpu.memory_space<hbm>>
      %dma_wait3A_55 = arith.constant 0 : i32
      %dma_wait3A_56 = arith.constant 0 : i32
      %dma_wait3A_57 = tpu.memref_slice %arg5[%arg0, %dma_wait3A_55, %dma_wait3A_56] : memref<2x10240x128xf32, #tpu.memory_space<hbm>> -> memref<1x10240x128xf32, #tpu.memory_space<hbm>>
      %dma_wait3A_58 = tpu.memref_squeeze %dma_wait3A_57 : memref<1x10240x128xf32, #tpu.memory_space<hbm>> -> memref<10240x128xf32, #tpu.memory_space<hbm>>
      %dma_wait3A_59 = arith.constant 0 : i32
      %dma_wait3A_60 = tpu.memref_slice %dma_wait3A_58[%add3A_38, %dma_wait3A_59] : memref<10240x128xf32, #tpu.memory_space<hbm>> -> memref<128x128xf32, #tpu.memory_space<hbm>>
      tpu.wait_dma2 semaphore(%run_scoped3A : memref<!tpu.dma_semaphore, #tpu.memory_space<semaphore_mem>>) src(%arg8 : memref<128x128xf32, #tpu.memory_space<vmem>>) dst(%dma_wait3A_60 : memref<128x128xf32, #tpu.memory_space<hbm>>)
      tpu.yield
    }) : () -> ()
    return
  }
}

#map = affine_map<(d0, d1) -> (0, 0)>
#map1 = affine_map<(d0, d1) -> (0, 0, 0, 0)>
#map2 = affine_map<(d0, d1) -> (0, 0, 0)>
module attributes {stable_mosaic.version = 14 : i64} {
  func.func @_sc_agg_body(%arg0: i32, %arg1: i32, %arg2: memref<10000x128xf32, #tpu.memory_space<hbm>>, %arg3: memref<32x79x2x128xi32, #tpu.memory_space<hbm>>, %arg4: memref<128x128xf32, #tpu.memory_space<hbm>>, %arg5: memref<2x10240x128xf32, #tpu.memory_space<hbm>>, %arg6: memref<10240x128xf32, #tpu.memory_space<vmem_shared>>, %arg7: memref<2x128xi32, #tpu.memory_space<vmem>>, %arg8: memref<128x128xf32, #tpu.memory_space<vmem>>, %arg9: memref<!tpu.dma_semaphore, #tpu.memory_space<semaphore_mem>>) attributes {dimension_semantics = [#tpu.dimension_semantics<core_parallel>, #tpu.dimension_semantics<subcore_parallel>], iteration_bounds = array<i64: 2, 16>, scalar_prefetch = 0 : i64, scratch_operands = 4 : i64, tpu.core_type = #tpu.core_type<sc_vector_subcore>, window_params = [{transform_indices = #map}, {transform_indices = #map1}, {transform_indices = #map}, {transform_indices = #map2}]} {
    %mul3A = arith.constant 16 : i32
    %mul3A_0 = arith.muli %arg0, %mul3A : i32
    %add3A = arith.addi %mul3A_0, %arg1 : i32
    %mul3A_1 = arith.constant 640 : i32
    %mul3A_2 = arith.muli %arg1, %mul3A_1 : i32
    "tpu.region"() ({
      %run_scoped3A = tpu.sem_alloc : memref<!tpu.dma_semaphore, #tpu.memory_space<semaphore_mem>>
      tpu.enqueue_dma source(%arg4 : memref<128x128xf32, #tpu.memory_space<hbm>>) target(%arg8 : memref<128x128xf32, #tpu.memory_space<vmem>>) target_semaphore(%run_scoped3A : memref<!tpu.dma_semaphore, #tpu.memory_space<semaphore_mem>>)
      tpu.wait_dma2 semaphore(%run_scoped3A : memref<!tpu.dma_semaphore, #tpu.memory_space<semaphore_mem>>) src(%arg4 : memref<128x128xf32, #tpu.memory_space<hbm>>) dst(%arg8 : memref<128x128xf32, #tpu.memory_space<vmem>>)
      tpu.yield
    }) : () -> ()
    %add3A_3 = arith.constant 0 : i32
    %add3A_4 = arith.addi %mul3A_2, %add3A_3 : i32
    "tpu.region"() ({
      %run_scoped3A = tpu.sem_alloc : memref<!tpu.dma_semaphore, #tpu.memory_space<semaphore_mem>>
      %dma_start3A = arith.constant 0 : i32
      %dma_start3A_39 = tpu.memref_slice %arg6[%add3A_4, %dma_start3A] : memref<10240x128xf32, #tpu.memory_space<vmem_shared>> -> memref<128x128xf32, #tpu.memory_space<vmem_shared>>
      %dma_start3A_40 = arith.constant 0 : i32
      %dma_start3A_41 = tpu.memref_slice %arg6[%add3A_4, %dma_start3A_40] : memref<10240x128xf32, #tpu.memory_space<vmem_shared>> -> memref<128x128xf32, #tpu.memory_space<vmem_shared>>
      tpu.enqueue_dma source(%arg8 : memref<128x128xf32, #tpu.memory_space<vmem>>) target(%dma_start3A_41 : memref<128x128xf32, #tpu.memory_space<vmem_shared>>) target_semaphore(%run_scoped3A : memref<!tpu.dma_semaphore, #tpu.memory_space<semaphore_mem>>)
      %dma_wait3A = arith.constant 0 : i32
      %dma_wait3A_42 = tpu.memref_slice %arg6[%add3A_4, %dma_wait3A] : memref<10240x128xf32, #tpu.memory_space<vmem_shared>> -> memref<128x128xf32, #tpu.memory_space<vmem_shared>>
      %dma_wait3A_43 = arith.constant 0 : i32
      %dma_wait3A_44 = tpu.memref_slice %arg6[%add3A_4, %dma_wait3A_43] : memref<10240x128xf32, #tpu.memory_space<vmem_shared>> -> memref<128x128xf32, #tpu.memory_space<vmem_shared>>
      tpu.wait_dma2 semaphore(%run_scoped3A : memref<!tpu.dma_semaphore, #tpu.memory_space<semaphore_mem>>) src(%arg8 : memref<128x128xf32, #tpu.memory_space<vmem>>) dst(%dma_wait3A_44 : memref<128x128xf32, #tpu.memory_space<vmem_shared>>)
      tpu.yield
    }) : () -> ()
    %add3A_5 = arith.constant 128 : i32
    %add3A_6 = arith.addi %mul3A_2, %add3A_5 : i32
    "tpu.region"() ({
      %run_scoped3A = tpu.sem_alloc : memref<!tpu.dma_semaphore, #tpu.memory_space<semaphore_mem>>
      %dma_start3A = arith.constant 0 : i32
      %dma_start3A_39 = tpu.memref_slice %arg6[%add3A_6, %dma_start3A] : memref<10240x128xf32, #tpu.memory_space<vmem_shared>> -> memref<128x128xf32, #tpu.memory_space<vmem_shared>>
      %dma_start3A_40 = arith.constant 0 : i32
      %dma_start3A_41 = tpu.memref_slice %arg6[%add3A_6, %dma_start3A_40] : memref<10240x128xf32, #tpu.memory_space<vmem_shared>> -> memref<128x128xf32, #tpu.memory_space<vmem_shared>>
      tpu.enqueue_dma source(%arg8 : memref<128x128xf32, #tpu.memory_space<vmem>>) target(%dma_start3A_41 : memref<128x128xf32, #tpu.memory_space<vmem_shared>>) target_semaphore(%run_scoped3A : memref<!tpu.dma_semaphore, #tpu.memory_space<semaphore_mem>>)
      %dma_wait3A = arith.constant 0 : i32
      %dma_wait3A_42 = tpu.memref_slice %arg6[%add3A_6, %dma_wait3A] : memref<10240x128xf32, #tpu.memory_space<vmem_shared>> -> memref<128x128xf32, #tpu.memory_space<vmem_shared>>
      %dma_wait3A_43 = arith.constant 0 : i32
      %dma_wait3A_44 = tpu.memref_slice %arg6[%add3A_6, %dma_wait3A_43] : memref<10240x128xf32, #tpu.memory_space<vmem_shared>> -> memref<128x128xf32, #tpu.memory_space<vmem_shared>>
      tpu.wait_dma2 semaphore(%run_scoped3A : memref<!tpu.dma_semaphore, #tpu.memory_space<semaphore_mem>>) src(%arg8 : memref<128x128xf32, #tpu.memory_space<vmem>>) dst(%dma_wait3A_44 : memref<128x128xf32, #tpu.memory_space<vmem_shared>>)
      tpu.yield
    }) : () -> ()
    %add3A_7 = arith.constant 256 : i32
    %add3A_8 = arith.addi %mul3A_2, %add3A_7 : i32
    "tpu.region"() ({
      %run_scoped3A = tpu.sem_alloc : memref<!tpu.dma_semaphore, #tpu.memory_space<semaphore_mem>>
      %dma_start3A = arith.constant 0 : i32
      %dma_start3A_39 = tpu.memref_slice %arg6[%add3A_8, %dma_start3A] : memref<10240x128xf32, #tpu.memory_space<vmem_shared>> -> memref<128x128xf32, #tpu.memory_space<vmem_shared>>
      %dma_start3A_40 = arith.constant 0 : i32
      %dma_start3A_41 = tpu.memref_slice %arg6[%add3A_8, %dma_start3A_40] : memref<10240x128xf32, #tpu.memory_space<vmem_shared>> -> memref<128x128xf32, #tpu.memory_space<vmem_shared>>
      tpu.enqueue_dma source(%arg8 : memref<128x128xf32, #tpu.memory_space<vmem>>) target(%dma_start3A_41 : memref<128x128xf32, #tpu.memory_space<vmem_shared>>) target_semaphore(%run_scoped3A : memref<!tpu.dma_semaphore, #tpu.memory_space<semaphore_mem>>)
      %dma_wait3A = arith.constant 0 : i32
      %dma_wait3A_42 = tpu.memref_slice %arg6[%add3A_8, %dma_wait3A] : memref<10240x128xf32, #tpu.memory_space<vmem_shared>> -> memref<128x128xf32, #tpu.memory_space<vmem_shared>>
      %dma_wait3A_43 = arith.constant 0 : i32
      %dma_wait3A_44 = tpu.memref_slice %arg6[%add3A_8, %dma_wait3A_43] : memref<10240x128xf32, #tpu.memory_space<vmem_shared>> -> memref<128x128xf32, #tpu.memory_space<vmem_shared>>
      tpu.wait_dma2 semaphore(%run_scoped3A : memref<!tpu.dma_semaphore, #tpu.memory_space<semaphore_mem>>) src(%arg8 : memref<128x128xf32, #tpu.memory_space<vmem>>) dst(%dma_wait3A_44 : memref<128x128xf32, #tpu.memory_space<vmem_shared>>)
      tpu.yield
    }) : () -> ()
    %add3A_9 = arith.constant 384 : i32
    %add3A_10 = arith.addi %mul3A_2, %add3A_9 : i32
    "tpu.region"() ({
      %run_scoped3A = tpu.sem_alloc : memref<!tpu.dma_semaphore, #tpu.memory_space<semaphore_mem>>
      %dma_start3A = arith.constant 0 : i32
      %dma_start3A_39 = tpu.memref_slice %arg6[%add3A_10, %dma_start3A] : memref<10240x128xf32, #tpu.memory_space<vmem_shared>> -> memref<128x128xf32, #tpu.memory_space<vmem_shared>>
      %dma_start3A_40 = arith.constant 0 : i32
      %dma_start3A_41 = tpu.memref_slice %arg6[%add3A_10, %dma_start3A_40] : memref<10240x128xf32, #tpu.memory_space<vmem_shared>> -> memref<128x128xf32, #tpu.memory_space<vmem_shared>>
      tpu.enqueue_dma source(%arg8 : memref<128x128xf32, #tpu.memory_space<vmem>>) target(%dma_start3A_41 : memref<128x128xf32, #tpu.memory_space<vmem_shared>>) target_semaphore(%run_scoped3A : memref<!tpu.dma_semaphore, #tpu.memory_space<semaphore_mem>>)
      %dma_wait3A = arith.constant 0 : i32
      %dma_wait3A_42 = tpu.memref_slice %arg6[%add3A_10, %dma_wait3A] : memref<10240x128xf32, #tpu.memory_space<vmem_shared>> -> memref<128x128xf32, #tpu.memory_space<vmem_shared>>
      %dma_wait3A_43 = arith.constant 0 : i32
      %dma_wait3A_44 = tpu.memref_slice %arg6[%add3A_10, %dma_wait3A_43] : memref<10240x128xf32, #tpu.memory_space<vmem_shared>> -> memref<128x128xf32, #tpu.memory_space<vmem_shared>>
      tpu.wait_dma2 semaphore(%run_scoped3A : memref<!tpu.dma_semaphore, #tpu.memory_space<semaphore_mem>>) src(%arg8 : memref<128x128xf32, #tpu.memory_space<vmem>>) dst(%dma_wait3A_44 : memref<128x128xf32, #tpu.memory_space<vmem_shared>>)
      tpu.yield
    }) : () -> ()
    %add3A_11 = arith.constant 512 : i32
    %add3A_12 = arith.addi %mul3A_2, %add3A_11 : i32
    "tpu.region"() ({
      %run_scoped3A = tpu.sem_alloc : memref<!tpu.dma_semaphore, #tpu.memory_space<semaphore_mem>>
      %dma_start3A = arith.constant 0 : i32
      %dma_start3A_39 = tpu.memref_slice %arg6[%add3A_12, %dma_start3A] : memref<10240x128xf32, #tpu.memory_space<vmem_shared>> -> memref<128x128xf32, #tpu.memory_space<vmem_shared>>
      %dma_start3A_40 = arith.constant 0 : i32
      %dma_start3A_41 = tpu.memref_slice %arg6[%add3A_12, %dma_start3A_40] : memref<10240x128xf32, #tpu.memory_space<vmem_shared>> -> memref<128x128xf32, #tpu.memory_space<vmem_shared>>
      tpu.enqueue_dma source(%arg8 : memref<128x128xf32, #tpu.memory_space<vmem>>) target(%dma_start3A_41 : memref<128x128xf32, #tpu.memory_space<vmem_shared>>) target_semaphore(%run_scoped3A : memref<!tpu.dma_semaphore, #tpu.memory_space<semaphore_mem>>)
      %dma_wait3A = arith.constant 0 : i32
      %dma_wait3A_42 = tpu.memref_slice %arg6[%add3A_12, %dma_wait3A] : memref<10240x128xf32, #tpu.memory_space<vmem_shared>> -> memref<128x128xf32, #tpu.memory_space<vmem_shared>>
      %dma_wait3A_43 = arith.constant 0 : i32
      %dma_wait3A_44 = tpu.memref_slice %arg6[%add3A_12, %dma_wait3A_43] : memref<10240x128xf32, #tpu.memory_space<vmem_shared>> -> memref<128x128xf32, #tpu.memory_space<vmem_shared>>
      tpu.wait_dma2 semaphore(%run_scoped3A : memref<!tpu.dma_semaphore, #tpu.memory_space<semaphore_mem>>) src(%arg8 : memref<128x128xf32, #tpu.memory_space<vmem>>) dst(%dma_wait3A_44 : memref<128x128xf32, #tpu.memory_space<vmem_shared>>)
      tpu.yield
    }) : () -> ()
    %barrier3A = arith.constant 0 : index
    tpu.barrier barrier_id(%barrier3A)
    %scan3A = arith.constant 0 : i32
    %scan3A_13 = arith.constant 0 : i32
    %scan3A_14 = arith.constant 79 : i32
    %scan3A_15 = arith.addi %scan3A_13, %scan3A_14 : i32
    %scan3A_16 = arith.constant 1 : i32
    scf.for %scan3A_39 = %scan3A_13 to %scan3A_15 step %scan3A_16  : i32 {
      "tpu.region"() ({
        %run_scoped3A_52 = tpu.sem_alloc : memref<!tpu.dma_semaphore, #tpu.memory_space<semaphore_mem>>
        %dma_start3A_53 = arith.constant 0 : i32
        %dma_start3A_54 = arith.constant 0 : i32
        %dma_start3A_55 = tpu.memref_slice %arg3[%add3A, %scan3A_39, %dma_start3A_53, %dma_start3A_54] : memref<32x79x2x128xi32, #tpu.memory_space<hbm>> -> memref<1x1x2x128xi32, #tpu.memory_space<hbm>>
        %dma_start3A_56 = tpu.memref_squeeze %dma_start3A_55 : memref<1x1x2x128xi32, #tpu.memory_space<hbm>> -> memref<2x128xi32, #tpu.memory_space<hbm>>
        %dma_start3A_57 = arith.constant 0 : i32
        %dma_start3A_58 = arith.constant 0 : i32
        %dma_start3A_59 = tpu.memref_slice %arg3[%add3A, %scan3A_39, %dma_start3A_57, %dma_start3A_58] : memref<32x79x2x128xi32, #tpu.memory_space<hbm>> -> memref<1x1x2x128xi32, #tpu.memory_space<hbm>>
        %dma_start3A_60 = tpu.memref_squeeze %dma_start3A_59 : memref<1x1x2x128xi32, #tpu.memory_space<hbm>> -> memref<2x128xi32, #tpu.memory_space<hbm>>
        tpu.enqueue_dma source(%dma_start3A_60 : memref<2x128xi32, #tpu.memory_space<hbm>>) target(%arg7 : memref<2x128xi32, #tpu.memory_space<vmem>>) target_semaphore(%run_scoped3A_52 : memref<!tpu.dma_semaphore, #tpu.memory_space<semaphore_mem>>)
        %dma_wait3A_61 = arith.constant 0 : i32
        %dma_wait3A_62 = arith.constant 0 : i32
        %dma_wait3A_63 = tpu.memref_slice %arg3[%add3A, %scan3A_39, %dma_wait3A_61, %dma_wait3A_62] : memref<32x79x2x128xi32, #tpu.memory_space<hbm>> -> memref<1x1x2x128xi32, #tpu.memory_space<hbm>>
        %dma_wait3A_64 = tpu.memref_squeeze %dma_wait3A_63 : memref<1x1x2x128xi32, #tpu.memory_space<hbm>> -> memref<2x128xi32, #tpu.memory_space<hbm>>
        %dma_wait3A_65 = arith.constant 0 : i32
        %dma_wait3A_66 = arith.constant 0 : i32
        %dma_wait3A_67 = tpu.memref_slice %arg3[%add3A, %scan3A_39, %dma_wait3A_65, %dma_wait3A_66] : memref<32x79x2x128xi32, #tpu.memory_space<hbm>> -> memref<1x1x2x128xi32, #tpu.memory_space<hbm>>
        %dma_wait3A_68 = tpu.memref_squeeze %dma_wait3A_67 : memref<1x1x2x128xi32, #tpu.memory_space<hbm>> -> memref<2x128xi32, #tpu.memory_space<hbm>>
        tpu.wait_dma2 semaphore(%run_scoped3A_52 : memref<!tpu.dma_semaphore, #tpu.memory_space<semaphore_mem>>) src(%dma_wait3A_68 : memref<2x128xi32, #tpu.memory_space<hbm>>) dst(%arg7 : memref<2x128xi32, #tpu.memory_space<vmem>>)
        tpu.yield
      }) : () -> ()
      %dma_start3A = arith.constant 0 : i32
      %dma_start3A_40 = arith.constant 0 : i32
      %dma_start3A_41 = tpu.memref_slice %arg7[%dma_start3A, %dma_start3A_40] : memref<2x128xi32, #tpu.memory_space<vmem>> -> memref<1x128xi32, #tpu.memory_space<vmem>>
      %dma_start3A_42 = tpu.memref_squeeze %dma_start3A_41 : memref<1x128xi32, #tpu.memory_space<vmem>> -> memref<128xi32, #tpu.memory_space<vmem>>
      %dma_start3A_43 = arith.constant 0 : i32
      %dma_start3A_44 = arith.constant 0 : i32
      %dma_start3A_45 = tpu.memref_slice %arg2[%dma_start3A_43, %dma_start3A_44] : memref<10000x128xf32, #tpu.memory_space<hbm>> -> memref<10000x128xf32, #tpu.memory_space<hbm>>
      tpu.enqueue_indirect_dma source(%dma_start3A_45 : memref<10000x128xf32, #tpu.memory_space<hbm>>) target(%arg8 : memref<128x128xf32, #tpu.memory_space<vmem>>) offsets(%dma_start3A_42 : memref<128xi32, #tpu.memory_space<vmem>>) semaphore(%arg9 : memref<!tpu.dma_semaphore, #tpu.memory_space<semaphore_mem>>)
      %dma_wait3A = arith.constant 0 : i32
      %dma_wait3A_46 = arith.constant 0 : i32
      %dma_wait3A_47 = tpu.memref_slice %arg7[%dma_wait3A, %dma_wait3A_46] : memref<2x128xi32, #tpu.memory_space<vmem>> -> memref<1x128xi32, #tpu.memory_space<vmem>>
      %dma_wait3A_48 = tpu.memref_squeeze %dma_wait3A_47 : memref<1x128xi32, #tpu.memory_space<vmem>> -> memref<128xi32, #tpu.memory_space<vmem>>
      %dma_wait3A_49 = arith.constant 0 : i32
      %dma_wait3A_50 = arith.constant 0 : i32
      %dma_wait3A_51 = tpu.memref_slice %arg2[%dma_wait3A_49, %dma_wait3A_50] : memref<10000x128xf32, #tpu.memory_space<hbm>> -> memref<10000x128xf32, #tpu.memory_space<hbm>>
      tpu.wait_indirect_dma semaphore(%arg9 : memref<!tpu.dma_semaphore, #tpu.memory_space<semaphore_mem>>) src(%dma_wait3A_51 : memref<10000x128xf32, #tpu.memory_space<hbm>>) dst(%arg8 : memref<128x128xf32, #tpu.memory_space<vmem>>)
      %run_scoped3A = arith.constant 1 : i32
      "tpu.region"() ({
        %run_scoped3A_52 = tpu.sem_alloc : memref<!tpu.dma_semaphore, #tpu.memory_space<semaphore_mem>>
        %dma_start3A_53 = arith.constant 0 : i32
        %dma_start3A_54 = tpu.memref_slice %arg7[%run_scoped3A, %dma_start3A_53] : memref<2x128xi32, #tpu.memory_space<vmem>> -> memref<1x128xi32, #tpu.memory_space<vmem>>
        %dma_start3A_55 = tpu.memref_squeeze %dma_start3A_54 : memref<1x128xi32, #tpu.memory_space<vmem>> -> memref<128xi32, #tpu.memory_space<vmem>>
        %dma_start3A_56 = arith.constant 0 : i32
        %dma_start3A_57 = arith.constant 0 : i32
        %dma_start3A_58 = tpu.memref_slice %arg6[%dma_start3A_56, %dma_start3A_57] : memref<10240x128xf32, #tpu.memory_space<vmem_shared>> -> memref<10240x128xf32, #tpu.memory_space<vmem_shared>>
        tpu.enqueue_indirect_dma source(%arg8 : memref<128x128xf32, #tpu.memory_space<vmem>>) target(%dma_start3A_58 : memref<10240x128xf32, #tpu.memory_space<vmem_shared>>) offsets(%dma_start3A_55 : memref<128xi32, #tpu.memory_space<vmem>>) semaphore(%run_scoped3A_52 : memref<!tpu.dma_semaphore, #tpu.memory_space<semaphore_mem>>) {add = true}
        %dma_wait3A_59 = arith.constant 0 : i32
        %dma_wait3A_60 = tpu.memref_slice %arg7[%run_scoped3A, %dma_wait3A_59] : memref<2x128xi32, #tpu.memory_space<vmem>> -> memref<1x128xi32, #tpu.memory_space<vmem>>
        %dma_wait3A_61 = tpu.memref_squeeze %dma_wait3A_60 : memref<1x128xi32, #tpu.memory_space<vmem>> -> memref<128xi32, #tpu.memory_space<vmem>>
        %dma_wait3A_62 = arith.constant 0 : i32
        %dma_wait3A_63 = arith.constant 0 : i32
        %dma_wait3A_64 = tpu.memref_slice %arg6[%dma_wait3A_62, %dma_wait3A_63] : memref<10240x128xf32, #tpu.memory_space<vmem_shared>> -> memref<10240x128xf32, #tpu.memory_space<vmem_shared>>
        tpu.wait_indirect_dma semaphore(%run_scoped3A_52 : memref<!tpu.dma_semaphore, #tpu.memory_space<semaphore_mem>>) src(%arg8 : memref<128x128xf32, #tpu.memory_space<vmem>>) dst(%dma_wait3A_64 : memref<10240x128xf32, #tpu.memory_space<vmem_shared>>)
        tpu.yield
      }) : () -> ()
    }
    %scan3A_17 = arith.constant 79 : i32
    %barrier3A_18 = arith.constant 0 : index
    tpu.barrier barrier_id(%barrier3A_18)
    %add3A_19 = arith.constant 0 : i32
    %add3A_20 = arith.addi %mul3A_2, %add3A_19 : i32
    "tpu.region"() ({
      %run_scoped3A = tpu.sem_alloc : memref<!tpu.dma_semaphore, #tpu.memory_space<semaphore_mem>>
      %dma_start3A = arith.constant 0 : i32
      %dma_start3A_39 = tpu.memref_slice %arg6[%add3A_20, %dma_start3A] : memref<10240x128xf32, #tpu.memory_space<vmem_shared>> -> memref<128x128xf32, #tpu.memory_space<vmem_shared>>
      %dma_start3A_40 = arith.constant 0 : i32
      %dma_start3A_41 = tpu.memref_slice %arg6[%add3A_20, %dma_start3A_40] : memref<10240x128xf32, #tpu.memory_space<vmem_shared>> -> memref<128x128xf32, #tpu.memory_space<vmem_shared>>
      tpu.enqueue_dma source(%dma_start3A_41 : memref<128x128xf32, #tpu.memory_space<vmem_shared>>) target(%arg8 : memref<128x128xf32, #tpu.memory_space<vmem>>) target_semaphore(%run_scoped3A : memref<!tpu.dma_semaphore, #tpu.memory_space<semaphore_mem>>)
      %dma_wait3A = arith.constant 0 : i32
      %dma_wait3A_42 = tpu.memref_slice %arg6[%add3A_20, %dma_wait3A] : memref<10240x128xf32, #tpu.memory_space<vmem_shared>> -> memref<128x128xf32, #tpu.memory_space<vmem_shared>>
      %dma_wait3A_43 = arith.constant 0 : i32
      %dma_wait3A_44 = tpu.memref_slice %arg6[%add3A_20, %dma_wait3A_43] : memref<10240x128xf32, #tpu.memory_space<vmem_shared>> -> memref<128x128xf32, #tpu.memory_space<vmem_shared>>
      tpu.wait_dma2 semaphore(%run_scoped3A : memref<!tpu.dma_semaphore, #tpu.memory_space<semaphore_mem>>) src(%dma_wait3A_44 : memref<128x128xf32, #tpu.memory_space<vmem_shared>>) dst(%arg8 : memref<128x128xf32, #tpu.memory_space<vmem>>)
      tpu.yield
    }) : () -> ()
    %add3A_21 = arith.constant 0 : i32
    %add3A_22 = arith.addi %mul3A_2, %add3A_21 : i32
    "tpu.region"() ({
      %run_scoped3A = tpu.sem_alloc : memref<!tpu.dma_semaphore, #tpu.memory_space<semaphore_mem>>
      %dma_start3A = arith.constant 0 : i32
      %dma_start3A_39 = arith.constant 0 : i32
      %dma_start3A_40 = tpu.memref_slice %arg5[%arg0, %dma_start3A, %dma_start3A_39] : memref<2x10240x128xf32, #tpu.memory_space<hbm>> -> memref<1x10240x128xf32, #tpu.memory_space<hbm>>
      %dma_start3A_41 = tpu.memref_squeeze %dma_start3A_40 : memref<1x10240x128xf32, #tpu.memory_space<hbm>> -> memref<10240x128xf32, #tpu.memory_space<hbm>>
      %dma_start3A_42 = arith.constant 0 : i32
      %dma_start3A_43 = tpu.memref_slice %dma_start3A_41[%add3A_22, %dma_start3A_42] : memref<10240x128xf32, #tpu.memory_space<hbm>> -> memref<128x128xf32, #tpu.memory_space<hbm>>
      %dma_start3A_44 = arith.constant 0 : i32
      %dma_start3A_45 = arith.constant 0 : i32
      %dma_start3A_46 = tpu.memref_slice %arg5[%arg0, %dma_start3A_44, %dma_start3A_45] : memref<2x10240x128xf32, #tpu.memory_space<hbm>> -> memref<1x10240x128xf32, #tpu.memory_space<hbm>>
      %dma_start3A_47 = tpu.memref_squeeze %dma_start3A_46 : memref<1x10240x128xf32, #tpu.memory_space<hbm>> -> memref<10240x128xf32, #tpu.memory_space<hbm>>
      %dma_start3A_48 = arith.constant 0 : i32
      %dma_start3A_49 = tpu.memref_slice %dma_start3A_47[%add3A_22, %dma_start3A_48] : memref<10240x128xf32, #tpu.memory_space<hbm>> -> memref<128x128xf32, #tpu.memory_space<hbm>>
      tpu.enqueue_dma source(%arg8 : memref<128x128xf32, #tpu.memory_space<vmem>>) target(%dma_start3A_49 : memref<128x128xf32, #tpu.memory_space<hbm>>) target_semaphore(%run_scoped3A : memref<!tpu.dma_semaphore, #tpu.memory_space<semaphore_mem>>)
      %dma_wait3A = arith.constant 0 : i32
      %dma_wait3A_50 = arith.constant 0 : i32
      %dma_wait3A_51 = tpu.memref_slice %arg5[%arg0, %dma_wait3A, %dma_wait3A_50] : memref<2x10240x128xf32, #tpu.memory_space<hbm>> -> memref<1x10240x128xf32, #tpu.memory_space<hbm>>
      %dma_wait3A_52 = tpu.memref_squeeze %dma_wait3A_51 : memref<1x10240x128xf32, #tpu.memory_space<hbm>> -> memref<10240x128xf32, #tpu.memory_space<hbm>>
      %dma_wait3A_53 = arith.constant 0 : i32
      %dma_wait3A_54 = tpu.memref_slice %dma_wait3A_52[%add3A_22, %dma_wait3A_53] : memref<10240x128xf32, #tpu.memory_space<hbm>> -> memref<128x128xf32, #tpu.memory_space<hbm>>
      %dma_wait3A_55 = arith.constant 0 : i32
      %dma_wait3A_56 = arith.constant 0 : i32
      %dma_wait3A_57 = tpu.memref_slice %arg5[%arg0, %dma_wait3A_55, %dma_wait3A_56] : memref<2x10240x128xf32, #tpu.memory_space<hbm>> -> memref<1x10240x128xf32, #tpu.memory_space<hbm>>
      %dma_wait3A_58 = tpu.memref_squeeze %dma_wait3A_57 : memref<1x10240x128xf32, #tpu.memory_space<hbm>> -> memref<10240x128xf32, #tpu.memory_space<hbm>>
      %dma_wait3A_59 = arith.constant 0 : i32
      %dma_wait3A_60 = tpu.memref_slice %dma_wait3A_58[%add3A_22, %dma_wait3A_59] : memref<10240x128xf32, #tpu.memory_space<hbm>> -> memref<128x128xf32, #tpu.memory_space<hbm>>
      tpu.wait_dma2 semaphore(%run_scoped3A : memref<!tpu.dma_semaphore, #tpu.memory_space<semaphore_mem>>) src(%arg8 : memref<128x128xf32, #tpu.memory_space<vmem>>) dst(%dma_wait3A_60 : memref<128x128xf32, #tpu.memory_space<hbm>>)
      tpu.yield
    }) : () -> ()
    %add3A_23 = arith.constant 128 : i32
    %add3A_24 = arith.addi %mul3A_2, %add3A_23 : i32
    "tpu.region"() ({
      %run_scoped3A = tpu.sem_alloc : memref<!tpu.dma_semaphore, #tpu.memory_space<semaphore_mem>>
      %dma_start3A = arith.constant 0 : i32
      %dma_start3A_39 = tpu.memref_slice %arg6[%add3A_24, %dma_start3A] : memref<10240x128xf32, #tpu.memory_space<vmem_shared>> -> memref<128x128xf32, #tpu.memory_space<vmem_shared>>
      %dma_start3A_40 = arith.constant 0 : i32
      %dma_start3A_41 = tpu.memref_slice %arg6[%add3A_24, %dma_start3A_40] : memref<10240x128xf32, #tpu.memory_space<vmem_shared>> -> memref<128x128xf32, #tpu.memory_space<vmem_shared>>
      tpu.enqueue_dma source(%dma_start3A_41 : memref<128x128xf32, #tpu.memory_space<vmem_shared>>) target(%arg8 : memref<128x128xf32, #tpu.memory_space<vmem>>) target_semaphore(%run_scoped3A : memref<!tpu.dma_semaphore, #tpu.memory_space<semaphore_mem>>)
      %dma_wait3A = arith.constant 0 : i32
      %dma_wait3A_42 = tpu.memref_slice %arg6[%add3A_24, %dma_wait3A] : memref<10240x128xf32, #tpu.memory_space<vmem_shared>> -> memref<128x128xf32, #tpu.memory_space<vmem_shared>>
      %dma_wait3A_43 = arith.constant 0 : i32
      %dma_wait3A_44 = tpu.memref_slice %arg6[%add3A_24, %dma_wait3A_43] : memref<10240x128xf32, #tpu.memory_space<vmem_shared>> -> memref<128x128xf32, #tpu.memory_space<vmem_shared>>
      tpu.wait_dma2 semaphore(%run_scoped3A : memref<!tpu.dma_semaphore, #tpu.memory_space<semaphore_mem>>) src(%dma_wait3A_44 : memref<128x128xf32, #tpu.memory_space<vmem_shared>>) dst(%arg8 : memref<128x128xf32, #tpu.memory_space<vmem>>)
      tpu.yield
    }) : () -> ()
    %add3A_25 = arith.constant 128 : i32
    %add3A_26 = arith.addi %mul3A_2, %add3A_25 : i32
    "tpu.region"() ({
      %run_scoped3A = tpu.sem_alloc : memref<!tpu.dma_semaphore, #tpu.memory_space<semaphore_mem>>
      %dma_start3A = arith.constant 0 : i32
      %dma_start3A_39 = arith.constant 0 : i32
      %dma_start3A_40 = tpu.memref_slice %arg5[%arg0, %dma_start3A, %dma_start3A_39] : memref<2x10240x128xf32, #tpu.memory_space<hbm>> -> memref<1x10240x128xf32, #tpu.memory_space<hbm>>
      %dma_start3A_41 = tpu.memref_squeeze %dma_start3A_40 : memref<1x10240x128xf32, #tpu.memory_space<hbm>> -> memref<10240x128xf32, #tpu.memory_space<hbm>>
      %dma_start3A_42 = arith.constant 0 : i32
      %dma_start3A_43 = tpu.memref_slice %dma_start3A_41[%add3A_26, %dma_start3A_42] : memref<10240x128xf32, #tpu.memory_space<hbm>> -> memref<128x128xf32, #tpu.memory_space<hbm>>
      %dma_start3A_44 = arith.constant 0 : i32
      %dma_start3A_45 = arith.constant 0 : i32
      %dma_start3A_46 = tpu.memref_slice %arg5[%arg0, %dma_start3A_44, %dma_start3A_45] : memref<2x10240x128xf32, #tpu.memory_space<hbm>> -> memref<1x10240x128xf32, #tpu.memory_space<hbm>>
      %dma_start3A_47 = tpu.memref_squeeze %dma_start3A_46 : memref<1x10240x128xf32, #tpu.memory_space<hbm>> -> memref<10240x128xf32, #tpu.memory_space<hbm>>
      %dma_start3A_48 = arith.constant 0 : i32
      %dma_start3A_49 = tpu.memref_slice %dma_start3A_47[%add3A_26, %dma_start3A_48] : memref<10240x128xf32, #tpu.memory_space<hbm>> -> memref<128x128xf32, #tpu.memory_space<hbm>>
      tpu.enqueue_dma source(%arg8 : memref<128x128xf32, #tpu.memory_space<vmem>>) target(%dma_start3A_49 : memref<128x128xf32, #tpu.memory_space<hbm>>) target_semaphore(%run_scoped3A : memref<!tpu.dma_semaphore, #tpu.memory_space<semaphore_mem>>)
      %dma_wait3A = arith.constant 0 : i32
      %dma_wait3A_50 = arith.constant 0 : i32
      %dma_wait3A_51 = tpu.memref_slice %arg5[%arg0, %dma_wait3A, %dma_wait3A_50] : memref<2x10240x128xf32, #tpu.memory_space<hbm>> -> memref<1x10240x128xf32, #tpu.memory_space<hbm>>
      %dma_wait3A_52 = tpu.memref_squeeze %dma_wait3A_51 : memref<1x10240x128xf32, #tpu.memory_space<hbm>> -> memref<10240x128xf32, #tpu.memory_space<hbm>>
      %dma_wait3A_53 = arith.constant 0 : i32
      %dma_wait3A_54 = tpu.memref_slice %dma_wait3A_52[%add3A_26, %dma_wait3A_53] : memref<10240x128xf32, #tpu.memory_space<hbm>> -> memref<128x128xf32, #tpu.memory_space<hbm>>
      %dma_wait3A_55 = arith.constant 0 : i32
      %dma_wait3A_56 = arith.constant 0 : i32
      %dma_wait3A_57 = tpu.memref_slice %arg5[%arg0, %dma_wait3A_55, %dma_wait3A_56] : memref<2x10240x128xf32, #tpu.memory_space<hbm>> -> memref<1x10240x128xf32, #tpu.memory_space<hbm>>
      %dma_wait3A_58 = tpu.memref_squeeze %dma_wait3A_57 : memref<1x10240x128xf32, #tpu.memory_space<hbm>> -> memref<10240x128xf32, #tpu.memory_space<hbm>>
      %dma_wait3A_59 = arith.constant 0 : i32
      %dma_wait3A_60 = tpu.memref_slice %dma_wait3A_58[%add3A_26, %dma_wait3A_59] : memref<10240x128xf32, #tpu.memory_space<hbm>> -> memref<128x128xf32, #tpu.memory_space<hbm>>
      tpu.wait_dma2 semaphore(%run_scoped3A : memref<!tpu.dma_semaphore, #tpu.memory_space<semaphore_mem>>) src(%arg8 : memref<128x128xf32, #tpu.memory_space<vmem>>) dst(%dma_wait3A_60 : memref<128x128xf32, #tpu.memory_space<hbm>>)
      tpu.yield
    }) : () -> ()
    %add3A_27 = arith.constant 256 : i32
    %add3A_28 = arith.addi %mul3A_2, %add3A_27 : i32
    "tpu.region"() ({
      %run_scoped3A = tpu.sem_alloc : memref<!tpu.dma_semaphore, #tpu.memory_space<semaphore_mem>>
      %dma_start3A = arith.constant 0 : i32
      %dma_start3A_39 = tpu.memref_slice %arg6[%add3A_28, %dma_start3A] : memref<10240x128xf32, #tpu.memory_space<vmem_shared>> -> memref<128x128xf32, #tpu.memory_space<vmem_shared>>
      %dma_start3A_40 = arith.constant 0 : i32
      %dma_start3A_41 = tpu.memref_slice %arg6[%add3A_28, %dma_start3A_40] : memref<10240x128xf32, #tpu.memory_space<vmem_shared>> -> memref<128x128xf32, #tpu.memory_space<vmem_shared>>
      tpu.enqueue_dma source(%dma_start3A_41 : memref<128x128xf32, #tpu.memory_space<vmem_shared>>) target(%arg8 : memref<128x128xf32, #tpu.memory_space<vmem>>) target_semaphore(%run_scoped3A : memref<!tpu.dma_semaphore, #tpu.memory_space<semaphore_mem>>)
      %dma_wait3A = arith.constant 0 : i32
      %dma_wait3A_42 = tpu.memref_slice %arg6[%add3A_28, %dma_wait3A] : memref<10240x128xf32, #tpu.memory_space<vmem_shared>> -> memref<128x128xf32, #tpu.memory_space<vmem_shared>>
      %dma_wait3A_43 = arith.constant 0 : i32
      %dma_wait3A_44 = tpu.memref_slice %arg6[%add3A_28, %dma_wait3A_43] : memref<10240x128xf32, #tpu.memory_space<vmem_shared>> -> memref<128x128xf32, #tpu.memory_space<vmem_shared>>
      tpu.wait_dma2 semaphore(%run_scoped3A : memref<!tpu.dma_semaphore, #tpu.memory_space<semaphore_mem>>) src(%dma_wait3A_44 : memref<128x128xf32, #tpu.memory_space<vmem_shared>>) dst(%arg8 : memref<128x128xf32, #tpu.memory_space<vmem>>)
      tpu.yield
    }) : () -> ()
    %add3A_29 = arith.constant 256 : i32
    %add3A_30 = arith.addi %mul3A_2, %add3A_29 : i32
    "tpu.region"() ({
      %run_scoped3A = tpu.sem_alloc : memref<!tpu.dma_semaphore, #tpu.memory_space<semaphore_mem>>
      %dma_start3A = arith.constant 0 : i32
      %dma_start3A_39 = arith.constant 0 : i32
      %dma_start3A_40 = tpu.memref_slice %arg5[%arg0, %dma_start3A, %dma_start3A_39] : memref<2x10240x128xf32, #tpu.memory_space<hbm>> -> memref<1x10240x128xf32, #tpu.memory_space<hbm>>
      %dma_start3A_41 = tpu.memref_squeeze %dma_start3A_40 : memref<1x10240x128xf32, #tpu.memory_space<hbm>> -> memref<10240x128xf32, #tpu.memory_space<hbm>>
      %dma_start3A_42 = arith.constant 0 : i32
      %dma_start3A_43 = tpu.memref_slice %dma_start3A_41[%add3A_30, %dma_start3A_42] : memref<10240x128xf32, #tpu.memory_space<hbm>> -> memref<128x128xf32, #tpu.memory_space<hbm>>
      %dma_start3A_44 = arith.constant 0 : i32
      %dma_start3A_45 = arith.constant 0 : i32
      %dma_start3A_46 = tpu.memref_slice %arg5[%arg0, %dma_start3A_44, %dma_start3A_45] : memref<2x10240x128xf32, #tpu.memory_space<hbm>> -> memref<1x10240x128xf32, #tpu.memory_space<hbm>>
      %dma_start3A_47 = tpu.memref_squeeze %dma_start3A_46 : memref<1x10240x128xf32, #tpu.memory_space<hbm>> -> memref<10240x128xf32, #tpu.memory_space<hbm>>
      %dma_start3A_48 = arith.constant 0 : i32
      %dma_start3A_49 = tpu.memref_slice %dma_start3A_47[%add3A_30, %dma_start3A_48] : memref<10240x128xf32, #tpu.memory_space<hbm>> -> memref<128x128xf32, #tpu.memory_space<hbm>>
      tpu.enqueue_dma source(%arg8 : memref<128x128xf32, #tpu.memory_space<vmem>>) target(%dma_start3A_49 : memref<128x128xf32, #tpu.memory_space<hbm>>) target_semaphore(%run_scoped3A : memref<!tpu.dma_semaphore, #tpu.memory_space<semaphore_mem>>)
      %dma_wait3A = arith.constant 0 : i32
      %dma_wait3A_50 = arith.constant 0 : i32
      %dma_wait3A_51 = tpu.memref_slice %arg5[%arg0, %dma_wait3A, %dma_wait3A_50] : memref<2x10240x128xf32, #tpu.memory_space<hbm>> -> memref<1x10240x128xf32, #tpu.memory_space<hbm>>
      %dma_wait3A_52 = tpu.memref_squeeze %dma_wait3A_51 : memref<1x10240x128xf32, #tpu.memory_space<hbm>> -> memref<10240x128xf32, #tpu.memory_space<hbm>>
      %dma_wait3A_53 = arith.constant 0 : i32
      %dma_wait3A_54 = tpu.memref_slice %dma_wait3A_52[%add3A_30, %dma_wait3A_53] : memref<10240x128xf32, #tpu.memory_space<hbm>> -> memref<128x128xf32, #tpu.memory_space<hbm>>
      %dma_wait3A_55 = arith.constant 0 : i32
      %dma_wait3A_56 = arith.constant 0 : i32
      %dma_wait3A_57 = tpu.memref_slice %arg5[%arg0, %dma_wait3A_55, %dma_wait3A_56] : memref<2x10240x128xf32, #tpu.memory_space<hbm>> -> memref<1x10240x128xf32, #tpu.memory_space<hbm>>
      %dma_wait3A_58 = tpu.memref_squeeze %dma_wait3A_57 : memref<1x10240x128xf32, #tpu.memory_space<hbm>> -> memref<10240x128xf32, #tpu.memory_space<hbm>>
      %dma_wait3A_59 = arith.constant 0 : i32
      %dma_wait3A_60 = tpu.memref_slice %dma_wait3A_58[%add3A_30, %dma_wait3A_59] : memref<10240x128xf32, #tpu.memory_space<hbm>> -> memref<128x128xf32, #tpu.memory_space<hbm>>
      tpu.wait_dma2 semaphore(%run_scoped3A : memref<!tpu.dma_semaphore, #tpu.memory_space<semaphore_mem>>) src(%arg8 : memref<128x128xf32, #tpu.memory_space<vmem>>) dst(%dma_wait3A_60 : memref<128x128xf32, #tpu.memory_space<hbm>>)
      tpu.yield
    }) : () -> ()
    %add3A_31 = arith.constant 384 : i32
    %add3A_32 = arith.addi %mul3A_2, %add3A_31 : i32
    "tpu.region"() ({
      %run_scoped3A = tpu.sem_alloc : memref<!tpu.dma_semaphore, #tpu.memory_space<semaphore_mem>>
      %dma_start3A = arith.constant 0 : i32
      %dma_start3A_39 = tpu.memref_slice %arg6[%add3A_32, %dma_start3A] : memref<10240x128xf32, #tpu.memory_space<vmem_shared>> -> memref<128x128xf32, #tpu.memory_space<vmem_shared>>
      %dma_start3A_40 = arith.constant 0 : i32
      %dma_start3A_41 = tpu.memref_slice %arg6[%add3A_32, %dma_start3A_40] : memref<10240x128xf32, #tpu.memory_space<vmem_shared>> -> memref<128x128xf32, #tpu.memory_space<vmem_shared>>
      tpu.enqueue_dma source(%dma_start3A_41 : memref<128x128xf32, #tpu.memory_space<vmem_shared>>) target(%arg8 : memref<128x128xf32, #tpu.memory_space<vmem>>) target_semaphore(%run_scoped3A : memref<!tpu.dma_semaphore, #tpu.memory_space<semaphore_mem>>)
      %dma_wait3A = arith.constant 0 : i32
      %dma_wait3A_42 = tpu.memref_slice %arg6[%add3A_32, %dma_wait3A] : memref<10240x128xf32, #tpu.memory_space<vmem_shared>> -> memref<128x128xf32, #tpu.memory_space<vmem_shared>>
      %dma_wait3A_43 = arith.constant 0 : i32
      %dma_wait3A_44 = tpu.memref_slice %arg6[%add3A_32, %dma_wait3A_43] : memref<10240x128xf32, #tpu.memory_space<vmem_shared>> -> memref<128x128xf32, #tpu.memory_space<vmem_shared>>
      tpu.wait_dma2 semaphore(%run_scoped3A : memref<!tpu.dma_semaphore, #tpu.memory_space<semaphore_mem>>) src(%dma_wait3A_44 : memref<128x128xf32, #tpu.memory_space<vmem_shared>>) dst(%arg8 : memref<128x128xf32, #tpu.memory_space<vmem>>)
      tpu.yield
    }) : () -> ()
    %add3A_33 = arith.constant 384 : i32
    %add3A_34 = arith.addi %mul3A_2, %add3A_33 : i32
    "tpu.region"() ({
      %run_scoped3A = tpu.sem_alloc : memref<!tpu.dma_semaphore, #tpu.memory_space<semaphore_mem>>
      %dma_start3A = arith.constant 0 : i32
      %dma_start3A_39 = arith.constant 0 : i32
      %dma_start3A_40 = tpu.memref_slice %arg5[%arg0, %dma_start3A, %dma_start3A_39] : memref<2x10240x128xf32, #tpu.memory_space<hbm>> -> memref<1x10240x128xf32, #tpu.memory_space<hbm>>
      %dma_start3A_41 = tpu.memref_squeeze %dma_start3A_40 : memref<1x10240x128xf32, #tpu.memory_space<hbm>> -> memref<10240x128xf32, #tpu.memory_space<hbm>>
      %dma_start3A_42 = arith.constant 0 : i32
      %dma_start3A_43 = tpu.memref_slice %dma_start3A_41[%add3A_34, %dma_start3A_42] : memref<10240x128xf32, #tpu.memory_space<hbm>> -> memref<128x128xf32, #tpu.memory_space<hbm>>
      %dma_start3A_44 = arith.constant 0 : i32
      %dma_start3A_45 = arith.constant 0 : i32
      %dma_start3A_46 = tpu.memref_slice %arg5[%arg0, %dma_start3A_44, %dma_start3A_45] : memref<2x10240x128xf32, #tpu.memory_space<hbm>> -> memref<1x10240x128xf32, #tpu.memory_space<hbm>>
      %dma_start3A_47 = tpu.memref_squeeze %dma_start3A_46 : memref<1x10240x128xf32, #tpu.memory_space<hbm>> -> memref<10240x128xf32, #tpu.memory_space<hbm>>
      %dma_start3A_48 = arith.constant 0 : i32
      %dma_start3A_49 = tpu.memref_slice %dma_start3A_47[%add3A_34, %dma_start3A_48] : memref<10240x128xf32, #tpu.memory_space<hbm>> -> memref<128x128xf32, #tpu.memory_space<hbm>>
      tpu.enqueue_dma source(%arg8 : memref<128x128xf32, #tpu.memory_space<vmem>>) target(%dma_start3A_49 : memref<128x128xf32, #tpu.memory_space<hbm>>) target_semaphore(%run_scoped3A : memref<!tpu.dma_semaphore, #tpu.memory_space<semaphore_mem>>)
      %dma_wait3A = arith.constant 0 : i32
      %dma_wait3A_50 = arith.constant 0 : i32
      %dma_wait3A_51 = tpu.memref_slice %arg5[%arg0, %dma_wait3A, %dma_wait3A_50] : memref<2x10240x128xf32, #tpu.memory_space<hbm>> -> memref<1x10240x128xf32, #tpu.memory_space<hbm>>
      %dma_wait3A_52 = tpu.memref_squeeze %dma_wait3A_51 : memref<1x10240x128xf32, #tpu.memory_space<hbm>> -> memref<10240x128xf32, #tpu.memory_space<hbm>>
      %dma_wait3A_53 = arith.constant 0 : i32
      %dma_wait3A_54 = tpu.memref_slice %dma_wait3A_52[%add3A_34, %dma_wait3A_53] : memref<10240x128xf32, #tpu.memory_space<hbm>> -> memref<128x128xf32, #tpu.memory_space<hbm>>
      %dma_wait3A_55 = arith.constant 0 : i32
      %dma_wait3A_56 = arith.constant 0 : i32
      %dma_wait3A_57 = tpu.memref_slice %arg5[%arg0, %dma_wait3A_55, %dma_wait3A_56] : memref<2x10240x128xf32, #tpu.memory_space<hbm>> -> memref<1x10240x128xf32, #tpu.memory_space<hbm>>
      %dma_wait3A_58 = tpu.memref_squeeze %dma_wait3A_57 : memref<1x10240x128xf32, #tpu.memory_space<hbm>> -> memref<10240x128xf32, #tpu.memory_space<hbm>>
      %dma_wait3A_59 = arith.constant 0 : i32
      %dma_wait3A_60 = tpu.memref_slice %dma_wait3A_58[%add3A_34, %dma_wait3A_59] : memref<10240x128xf32, #tpu.memory_space<hbm>> -> memref<128x128xf32, #tpu.memory_space<hbm>>
      tpu.wait_dma2 semaphore(%run_scoped3A : memref<!tpu.dma_semaphore, #tpu.memory_space<semaphore_mem>>) src(%arg8 : memref<128x128xf32, #tpu.memory_space<vmem>>) dst(%dma_wait3A_60 : memref<128x128xf32, #tpu.memory_space<hbm>>)
      tpu.yield
    }) : () -> ()
    %add3A_35 = arith.constant 512 : i32
    %add3A_36 = arith.addi %mul3A_2, %add3A_35 : i32
    "tpu.region"() ({
      %run_scoped3A = tpu.sem_alloc : memref<!tpu.dma_semaphore, #tpu.memory_space<semaphore_mem>>
      %dma_start3A = arith.constant 0 : i32
      %dma_start3A_39 = tpu.memref_slice %arg6[%add3A_36, %dma_start3A] : memref<10240x128xf32, #tpu.memory_space<vmem_shared>> -> memref<128x128xf32, #tpu.memory_space<vmem_shared>>
      %dma_start3A_40 = arith.constant 0 : i32
      %dma_start3A_41 = tpu.memref_slice %arg6[%add3A_36, %dma_start3A_40] : memref<10240x128xf32, #tpu.memory_space<vmem_shared>> -> memref<128x128xf32, #tpu.memory_space<vmem_shared>>
      tpu.enqueue_dma source(%dma_start3A_41 : memref<128x128xf32, #tpu.memory_space<vmem_shared>>) target(%arg8 : memref<128x128xf32, #tpu.memory_space<vmem>>) target_semaphore(%run_scoped3A : memref<!tpu.dma_semaphore, #tpu.memory_space<semaphore_mem>>)
      %dma_wait3A = arith.constant 0 : i32
      %dma_wait3A_42 = tpu.memref_slice %arg6[%add3A_36, %dma_wait3A] : memref<10240x128xf32, #tpu.memory_space<vmem_shared>> -> memref<128x128xf32, #tpu.memory_space<vmem_shared>>
      %dma_wait3A_43 = arith.constant 0 : i32
      %dma_wait3A_44 = tpu.memref_slice %arg6[%add3A_36, %dma_wait3A_43] : memref<10240x128xf32, #tpu.memory_space<vmem_shared>> -> memref<128x128xf32, #tpu.memory_space<vmem_shared>>
      tpu.wait_dma2 semaphore(%run_scoped3A : memref<!tpu.dma_semaphore, #tpu.memory_space<semaphore_mem>>) src(%dma_wait3A_44 : memref<128x128xf32, #tpu.memory_space<vmem_shared>>) dst(%arg8 : memref<128x128xf32, #tpu.memory_space<vmem>>)
      tpu.yield
    }) : () -> ()
    %add3A_37 = arith.constant 512 : i32
    %add3A_38 = arith.addi %mul3A_2, %add3A_37 : i32
    "tpu.region"() ({
      %run_scoped3A = tpu.sem_alloc : memref<!tpu.dma_semaphore, #tpu.memory_space<semaphore_mem>>
      %dma_start3A = arith.constant 0 : i32
      %dma_start3A_39 = arith.constant 0 : i32
      %dma_start3A_40 = tpu.memref_slice %arg5[%arg0, %dma_start3A, %dma_start3A_39] : memref<2x10240x128xf32, #tpu.memory_space<hbm>> -> memref<1x10240x128xf32, #tpu.memory_space<hbm>>
      %dma_start3A_41 = tpu.memref_squeeze %dma_start3A_40 : memref<1x10240x128xf32, #tpu.memory_space<hbm>> -> memref<10240x128xf32, #tpu.memory_space<hbm>>
      %dma_start3A_42 = arith.constant 0 : i32
      %dma_start3A_43 = tpu.memref_slice %dma_start3A_41[%add3A_38, %dma_start3A_42] : memref<10240x128xf32, #tpu.memory_space<hbm>> -> memref<128x128xf32, #tpu.memory_space<hbm>>
      %dma_start3A_44 = arith.constant 0 : i32
      %dma_start3A_45 = arith.constant 0 : i32
      %dma_start3A_46 = tpu.memref_slice %arg5[%arg0, %dma_start3A_44, %dma_start3A_45] : memref<2x10240x128xf32, #tpu.memory_space<hbm>> -> memref<1x10240x128xf32, #tpu.memory_space<hbm>>
      %dma_start3A_47 = tpu.memref_squeeze %dma_start3A_46 : memref<1x10240x128xf32, #tpu.memory_space<hbm>> -> memref<10240x128xf32, #tpu.memory_space<hbm>>
      %dma_start3A_48 = arith.constant 0 : i32
      %dma_start3A_49 = tpu.memref_slice %dma_start3A_47[%add3A_38, %dma_start3A_48] : memref<10240x128xf32, #tpu.memory_space<hbm>> -> memref<128x128xf32, #tpu.memory_space<hbm>>
      tpu.enqueue_dma source(%arg8 : memref<128x128xf32, #tpu.memory_space<vmem>>) target(%dma_start3A_49 : memref<128x128xf32, #tpu.memory_space<hbm>>) target_semaphore(%run_scoped3A : memref<!tpu.dma_semaphore, #tpu.memory_space<semaphore_mem>>)
      %dma_wait3A = arith.constant 0 : i32
      %dma_wait3A_50 = arith.constant 0 : i32
      %dma_wait3A_51 = tpu.memref_slice %arg5[%arg0, %dma_wait3A, %dma_wait3A_50] : memref<2x10240x128xf32, #tpu.memory_space<hbm>> -> memref<1x10240x128xf32, #tpu.memory_space<hbm>>
      %dma_wait3A_52 = tpu.memref_squeeze %dma_wait3A_51 : memref<1x10240x128xf32, #tpu.memory_space<hbm>> -> memref<10240x128xf32, #tpu.memory_space<hbm>>
      %dma_wait3A_53 = arith.constant 0 : i32
      %dma_wait3A_54 = tpu.memref_slice %dma_wait3A_52[%add3A_38, %dma_wait3A_53] : memref<10240x128xf32, #tpu.memory_space<hbm>> -> memref<128x128xf32, #tpu.memory_space<hbm>>
      %dma_wait3A_55 = arith.constant 0 : i32
      %dma_wait3A_56 = arith.constant 0 : i32
      %dma_wait3A_57 = tpu.memref_slice %arg5[%arg0, %dma_wait3A_55, %dma_wait3A_56] : memref<2x10240x128xf32, #tpu.memory_space<hbm>> -> memref<1x10240x128xf32, #tpu.memory_space<hbm>>
      %dma_wait3A_58 = tpu.memref_squeeze %dma_wait3A_57 : memref<1x10240x128xf32, #tpu.memory_space<hbm>> -> memref<10240x128xf32, #tpu.memory_space<hbm>>
      %dma_wait3A_59 = arith.constant 0 : i32
      %dma_wait3A_60 = tpu.memref_slice %dma_wait3A_58[%add3A_38, %dma_wait3A_59] : memref<10240x128xf32, #tpu.memory_space<hbm>> -> memref<128x128xf32, #tpu.memory_space<hbm>>
      tpu.wait_dma2 semaphore(%run_scoped3A : memref<!tpu.dma_semaphore, #tpu.memory_space<semaphore_mem>>) src(%arg8 : memref<128x128xf32, #tpu.memory_space<vmem>>) dst(%dma_wait3A_60 : memref<128x128xf32, #tpu.memory_space<hbm>>)
      tpu.yield
    }) : () -> ()
    return
  }
}

#map = affine_map<(d0, d1) -> (0, 0, 0)>
#map1 = affine_map<(d0, d1) -> (0, 0)>
module attributes {stable_mosaic.version = 14 : i64} {
  func.func @_sc_deg_body(%arg0: i32, %arg1: i32, %arg2: memref<32x79x128xi32, #tpu.memory_space<hbm>>, %arg3: memref<32x10240xf32, #tpu.memory_space<hbm>>, %arg4: memref<10240xf32, #tpu.memory_space<vmem>>, %arg5: memref<128xi32, #tpu.memory_space<vmem>>) attributes {dimension_semantics = [#tpu.dimension_semantics<core_parallel>, #tpu.dimension_semantics<subcore_parallel>], iteration_bounds = array<i64: 2, 16>, scalar_prefetch = 0 : i64, scratch_operands = 2 : i64, tpu.core_type = #tpu.core_type<sc_vector_subcore>, window_params = [{transform_indices = #map}, {transform_indices = #map1}]} {
    %mul3A = arith.constant 16 : i32
    %mul3A_0 = arith.muli %arg0, %mul3A : i32
    %add3A = arith.addi %mul3A_0, %arg1 : i32
    %broadcast_in_dim3A = arith.constant 0.000000e+00 : f32
    %broadcast_in_dim3A_1 = vector.broadcast %broadcast_in_dim3A : f32 to vector<16xf32>
    %scan3A = arith.constant 0 : i32
    %scan3A_2 = arith.constant 0 : i32
    %scan3A_3 = arith.constant 640 : i32
    %scan3A_4 = arith.addi %scan3A_2, %scan3A_3 : i32
    %scan3A_5 = arith.constant 1 : i32
    scf.for %scan3A_15 = %scan3A_2 to %scan3A_4 step %scan3A_5  : i32 {
      %mul3A_16 = arith.constant 16 : i32
      %mul3A_17 = arith.muli %scan3A_15, %mul3A_16 : i32
      %swap3A = arith.index_cast %mul3A_17 : i32 to index
      %swap3A_18 = tpu.vector_load %arg4[%swap3A] {strides = array<i32>} : memref<10240xf32, #tpu.memory_space<vmem>>, vector<16xf32>,
      tpu.vector_store %arg4[%swap3A], %broadcast_in_dim3A_1 {strides = array<i32>} : memref<10240xf32, #tpu.memory_space<vmem>>, vector<16xf32>,
    }
    %scan3A_6 = arith.constant 640 : i32
    %broadcast_in_dim3A_7 = arith.constant 1.000000e+00 : f32
    %broadcast_in_dim3A_8 = vector.broadcast %broadcast_in_dim3A_7 : f32 to vector<16xf32>
    %scan3A_9 = arith.constant 0 : i32
    %scan3A_10 = arith.constant 0 : i32
    %scan3A_11 = arith.constant 79 : i32
    %scan3A_12 = arith.addi %scan3A_10, %scan3A_11 : i32
    %scan3A_13 = arith.constant 1 : i32
    scf.for %scan3A_15 = %scan3A_10 to %scan3A_12 step %scan3A_13  : i32 {
      "tpu.region"() ({
        %run_scoped3A = tpu.sem_alloc : memref<!tpu.dma_semaphore, #tpu.memory_space<semaphore_mem>>
        %dma_start3A = arith.constant 0 : i32
        %dma_start3A_22 = tpu.memref_slice %arg2[%add3A, %scan3A_15, %dma_start3A] : memref<32x79x128xi32, #tpu.memory_space<hbm>> -> memref<1x1x128xi32, #tpu.memory_space<hbm>>
        %dma_start3A_23 = tpu.memref_squeeze %dma_start3A_22 : memref<1x1x128xi32, #tpu.memory_space<hbm>> -> memref<128xi32, #tpu.memory_space<hbm>>
        %dma_start3A_24 = arith.constant 0 : i32
        %dma_start3A_25 = tpu.memref_slice %arg2[%add3A, %scan3A_15, %dma_start3A_24] : memref<32x79x128xi32, #tpu.memory_space<hbm>> -> memref<1x1x128xi32, #tpu.memory_space<hbm>>
        %dma_start3A_26 = tpu.memref_squeeze %dma_start3A_25 : memref<1x1x128xi32, #tpu.memory_space<hbm>> -> memref<128xi32, #tpu.memory_space<hbm>>
        tpu.enqueue_dma source(%dma_start3A_26 : memref<128xi32, #tpu.memory_space<hbm>>) target(%arg5 : memref<128xi32, #tpu.memory_space<vmem>>) target_semaphore(%run_scoped3A : memref<!tpu.dma_semaphore, #tpu.memory_space<semaphore_mem>>)
        %dma_wait3A = arith.constant 0 : i32
        %dma_wait3A_27 = tpu.memref_slice %arg2[%add3A, %scan3A_15, %dma_wait3A] : memref<32x79x128xi32, #tpu.memory_space<hbm>> -> memref<1x1x128xi32, #tpu.memory_space<hbm>>
        %dma_wait3A_28 = tpu.memref_squeeze %dma_wait3A_27 : memref<1x1x128xi32, #tpu.memory_space<hbm>> -> memref<128xi32, #tpu.memory_space<hbm>>
        %dma_wait3A_29 = arith.constant 0 : i32
        %dma_wait3A_30 = tpu.memref_slice %arg2[%add3A, %scan3A_15, %dma_wait3A_29] : memref<32x79x128xi32, #tpu.memory_space<hbm>> -> memref<1x1x128xi32, #tpu.memory_space<hbm>>
        %dma_wait3A_31 = tpu.memref_squeeze %dma_wait3A_30 : memref<1x1x128xi32, #tpu.memory_space<hbm>> -> memref<128xi32, #tpu.memory_space<hbm>>
        tpu.wait_dma2 semaphore(%run_scoped3A : memref<!tpu.dma_semaphore, #tpu.memory_space<semaphore_mem>>) src(%dma_wait3A_31 : memref<128xi32, #tpu.memory_space<hbm>>) dst(%arg5 : memref<128xi32, #tpu.memory_space<vmem>>)
        tpu.yield
      }) : () -> ()
      %scan3A_16 = arith.constant 0 : i32
      %scan3A_17 = arith.constant 0 : i32
      %scan3A_18 = arith.constant 8 : i32
      %scan3A_19 = arith.addi %scan3A_17, %scan3A_18 : i32
      %scan3A_20 = arith.constant 1 : i32
      scf.for %scan3A_22 = %scan3A_17 to %scan3A_19 step %scan3A_20  : i32 {
        %mul3A_23 = arith.constant 16 : i32
        %mul3A_24 = arith.muli %scan3A_22, %mul3A_23 : i32
        %get3A = arith.index_cast %mul3A_24 : i32 to index
        %get3A_25 = tpu.vector_load %arg5[%get3A] {strides = array<i32>} : memref<128xi32, #tpu.memory_space<vmem>>, vector<16xi32>,
        tpu.vector_store_idx %arg4[%get3A_25], %broadcast_in_dim3A_8 {add = true} : memref<10240xf32, #tpu.memory_space<vmem>>[vector<16xi32>], vector<16xf32>,
      }
      %scan3A_21 = arith.constant 8 : i32
    }
    %scan3A_14 = arith.constant 79 : i32
    "tpu.region"() ({
      %run_scoped3A = tpu.sem_alloc : memref<!tpu.dma_semaphore, #tpu.memory_space<semaphore_mem>>
      %dma_start3A = arith.constant 0 : i32
      %dma_start3A_15 = tpu.memref_slice %arg3[%add3A, %dma_start3A] : memref<32x10240xf32, #tpu.memory_space<hbm>> -> memref<1x10240xf32, #tpu.memory_space<hbm>>
      %dma_start3A_16 = tpu.memref_squeeze %dma_start3A_15 : memref<1x10240xf32, #tpu.memory_space<hbm>> -> memref<10240xf32, #tpu.memory_space<hbm>>
      %dma_start3A_17 = arith.constant 0 : i32
      %dma_start3A_18 = tpu.memref_slice %arg3[%add3A, %dma_start3A_17] : memref<32x10240xf32, #tpu.memory_space<hbm>> -> memref<1x10240xf32, #tpu.memory_space<hbm>>
      %dma_start3A_19 = tpu.memref_squeeze %dma_start3A_18 : memref<1x10240xf32, #tpu.memory_space<hbm>> -> memref<10240xf32, #tpu.memory_space<hbm>>
      tpu.enqueue_dma source(%arg4 : memref<10240xf32, #tpu.memory_space<vmem>>) target(%dma_start3A_19 : memref<10240xf32, #tpu.memory_space<hbm>>) target_semaphore(%run_scoped3A : memref<!tpu.dma_semaphore, #tpu.memory_space<semaphore_mem>>)
      %dma_wait3A = arith.constant 0 : i32
      %dma_wait3A_20 = tpu.memref_slice %arg3[%add3A, %dma_wait3A] : memref<32x10240xf32, #tpu.memory_space<hbm>> -> memref<1x10240xf32, #tpu.memory_space<hbm>>
      %dma_wait3A_21 = tpu.memref_squeeze %dma_wait3A_20 : memref<1x10240xf32, #tpu.memory_space<hbm>> -> memref<10240xf32, #tpu.memory_space<hbm>>
      %dma_wait3A_22 = arith.constant 0 : i32
      %dma_wait3A_23 = tpu.memref_slice %arg3[%add3A, %dma_wait3A_22] : memref<32x10240xf32, #tpu.memory_space<hbm>> -> memref<1x10240xf32, #tpu.memory_space<hbm>>
      %dma_wait3A_24 = tpu.memref_squeeze %dma_wait3A_23 : memref<1x10240xf32, #tpu.memory_space<hbm>> -> memref<10240xf32, #tpu.memory_space<hbm>>
      tpu.wait_dma2 semaphore(%run_scoped3A : memref<!tpu.dma_semaphore, #tpu.memory_space<semaphore_mem>>) src(%arg4 : memref<10240xf32, #tpu.memory_space<vmem>>) dst(%dma_wait3A_24 : memref<10240xf32, #tpu.memory_space<hbm>>)
      tpu.yield
    }) : () -> ()
    return
  }
}

module attributes {stable_mosaic.version = 14 : i64} {
  func.func @_tc_layer_body(%arg0: i32, %arg1: memref<1000x128xf32, #tpu.memory_space<vmem>>, %arg2: memref<2x1000x128xf32, #tpu.memory_space<vmem>>, %arg3: memref<1000x32xf32, #tpu.memory_space<vmem>>, %arg4: memref<128x128xf32, #tpu.memory_space<vmem>>, %arg5: memref<128x128xf32, #tpu.memory_space<vmem>>, %arg6: memref<1x128xf32, #tpu.memory_space<vmem>>, %arg7: memref<1000x128xf32, #tpu.memory_space<vmem>>) attributes {dimension_semantics = [#tpu.dimension_semantics<arbitrary>], iteration_bounds = array<i64: 10>, scalar_prefetch = 0 : i64, scratch_operands = 0 : i64, tpu.core_type = #tpu.core_type<tc>, window_params = [{transform_indices = @transform_0, window_bounds = array<i64: 1000, 128>}, {transform_indices = @transform_1, window_bounds = array<i64: 2, 1000, 128>}, {transform_indices = @transform_2, window_bounds = array<i64: 1000, 32>}, {pipeline_mode = #tpu.pipeline_mode<synchronous>, transform_indices = @transform_3, window_bounds = array<i64: 128, 128>}, {pipeline_mode = #tpu.pipeline_mode<synchronous>, transform_indices = @transform_4, window_bounds = array<i64: 128, 128>}, {pipeline_mode = #tpu.pipeline_mode<synchronous>, transform_indices = @transform_5, window_bounds = array<i64: 1, 128>}, {transform_indices = @transform_6, window_bounds = array<i64: 1000, 128>}]} {
    %get3A = arith.constant 0 : index
    %get3A_0 = arith.constant 0 : index
    %get3A_1 = arith.constant 0 : index
    %get3A_2 = vector.load %arg2[%get3A, %get3A_0, %get3A_1] : memref<2x1000x128xf32, #tpu.memory_space<vmem>>, vector<1x1000x128xf32>
    %get3A_3 = vector.shape_cast %get3A_2 : vector<1x1000x128xf32> to vector<1000x128xf32>
    %get3A_4 = arith.constant 1 : index
    %get3A_5 = arith.constant 0 : index
    %get3A_6 = arith.constant 0 : index
    %get3A_7 = vector.load %arg2[%get3A_4, %get3A_5, %get3A_6] : memref<2x1000x128xf32, #tpu.memory_space<vmem>>, vector<1x1000x128xf32>
    %get3A_8 = vector.shape_cast %get3A_7 : vector<1x1000x128xf32> to vector<1000x128xf32>
    %add3A = arith.addf %get3A_3, %get3A_8 : vector<1000x128xf32>
    %get3A_9 = arith.constant 0 : index
    %get3A_10 = arith.constant 0 : index
    %get3A_11 = vector.load %arg3[%get3A_9, %get3A_10] : memref<1000x32xf32, #tpu.memory_space<vmem>>, vector<1000x32xf32>
    %reduce_sum3A = arith.constant dense<0.000000e+00> : vector<1000xf32>
    %reduce_sum3A_12 = vector.multi_reduction <add>, %get3A_11, %reduce_sum3A [1] : vector<1000x32xf32> to vector<1000xf32>
    %max3A = arith.constant 1.000000e+00 : f32
    %max3A_13 = vector.broadcast %max3A : f32 to vector<1000xf32>
    %max3A_14 = arith.maximumf %reduce_sum3A_12, %max3A_13 : vector<1000xf32>
    %broadcast_in_dim3A = vector.shape_cast %max3A_14 : vector<1000xf32> to vector<1000x1xf32>
    %div3A = vector.broadcast %broadcast_in_dim3A : vector<1000x1xf32> to vector<1000x128xf32>
    %div3A_15 = arith.divf %add3A, %div3A : vector<1000x128xf32>
    %get3A_16 = arith.constant 0 : index
    %get3A_17 = arith.constant 0 : index
    %get3A_18 = vector.load %arg1[%get3A_16, %get3A_17] : memref<1000x128xf32, #tpu.memory_space<vmem>>, vector<1000x128xf32>
    %get3A_19 = arith.constant 0 : index
    %get3A_20 = arith.constant 0 : index
    %get3A_21 = vector.load %arg4[%get3A_19, %get3A_20] : memref<128x128xf32, #tpu.memory_space<vmem>>, vector<128x128xf32>
    %dot_general3A = arith.constant dense<0.000000e+00> : vector<1000x128xf32>
    %dot_general3A_22 = tpu.matmul %get3A_18, %get3A_21, %dot_general3A {dimension_numbers = #tpu.dot_dimension_numbers<[1], [0], [0], [1], [0, 0, 1, 1], [], []>, precision = #tpu.contract_precision<fp32>, transpose_lhs_hint = false} : vector<1000x128xf32>, vector<128x128xf32>, vector<1000x128xf32> -> vector<1000x128xf32>
    %get3A_23 = arith.constant 0 : index
    %get3A_24 = arith.constant 0 : index
    %get3A_25 = vector.load %arg5[%get3A_23, %get3A_24] : memref<128x128xf32, #tpu.memory_space<vmem>>, vector<128x128xf32>
    %dot_general3A_26 = arith.constant dense<0.000000e+00> : vector<1000x128xf32>
    %dot_general3A_27 = tpu.matmul %div3A_15, %get3A_25, %dot_general3A_26 {dimension_numbers = #tpu.dot_dimension_numbers<[1], [0], [0], [1], [0, 0, 1, 1], [], []>, precision = #tpu.contract_precision<fp32>, transpose_lhs_hint = false} : vector<1000x128xf32>, vector<128x128xf32>, vector<1000x128xf32> -> vector<1000x128xf32>
    %add3A_28 = arith.addf %dot_general3A_22, %dot_general3A_27 : vector<1000x128xf32>
    %get3A_29 = arith.constant 0 : index
    %get3A_30 = arith.constant 0 : index
    %get3A_31 = vector.load %arg6[%get3A_29, %get3A_30] : memref<1x128xf32, #tpu.memory_space<vmem>>, vector<1x128xf32>
    %add3A_32 = vector.broadcast %get3A_31 : vector<1x128xf32> to vector<1000x128xf32>
    %add3A_33 = arith.addf %add3A_28, %add3A_32 : vector<1000x128xf32>
    %gt3A = arith.constant 0.000000e+00 : f32
    %gt3A_34 = vector.broadcast %gt3A : f32 to vector<1000x128xf32>
    %gt3A_35 = arith.cmpf ogt, %add3A_33, %gt3A_34 : vector<1000x128xf32>
    %mul3A = arith.constant 2.000000e-01 : f32
    %mul3A_36 = vector.broadcast %mul3A : f32 to vector<1000x128xf32>
    %mul3A_37 = arith.mulf %mul3A_36, %add3A_33 : vector<1000x128xf32>
    %select_n3A = arith.select %gt3A_35, %add3A_33, %mul3A_37 : vector<1000x128xi1>, vector<1000x128xf32>
    %swap3A = arith.constant 0 : index
    %swap3A_38 = arith.constant 0 : index
    %swap3A_39 = vector.load %arg7[%swap3A, %swap3A_38] : memref<1000x128xf32, #tpu.memory_space<vmem>>, vector<1000x128xf32>
    tpu.vector_store %arg7[%swap3A, %swap3A_38], %select_n3A {strides = array<i32>} : memref<1000x128xf32, #tpu.memory_space<vmem>>, vector<1000x128xf32>,
    return
  }
  func.func @transform_0(%arg0: i32) -> (i32, i32) {
    %c0_i32 = arith.constant 0 : i32
    %c0_i32_0 = arith.constant 0 : i32
    return %arg0, %c0_i32 : i32, i32
  }
  func.func @transform_1(%arg0: i32) -> (i32, i32, i32) {
    %c0_i32 = arith.constant 0 : i32
    %c0_i32_0 = arith.constant 0 : i32
    %c0_i32_1 = arith.constant 0 : i32
    return %c0_i32, %arg0, %c0_i32_0 : i32, i32, i32
  }
  func.func @transform_2(%arg0: i32) -> (i32, i32) {
    %c0_i32 = arith.constant 0 : i32
    %c0_i32_0 = arith.constant 0 : i32
    return %arg0, %c0_i32 : i32, i32
  }
  func.func @transform_3(%arg0: i32) -> (i32, i32) {
    %c0_i32 = arith.constant 0 : i32
    %c0_i32_0 = arith.constant 0 : i32
    %c0_i32_1 = arith.constant 0 : i32
    return %c0_i32, %c0_i32_0 : i32, i32
  }
  func.func @transform_4(%arg0: i32) -> (i32, i32) {
    %c0_i32 = arith.constant 0 : i32
    %c0_i32_0 = arith.constant 0 : i32
    %c0_i32_1 = arith.constant 0 : i32
    return %c0_i32, %c0_i32_0 : i32, i32
  }
  func.func @transform_5(%arg0: i32) -> (i32, i32) {
    %c0_i32 = arith.constant 0 : i32
    %c0_i32_0 = arith.constant 0 : i32
    %c0_i32_1 = arith.constant 0 : i32
    return %c0_i32, %c0_i32_0 : i32, i32
  }
  func.func @transform_6(%arg0: i32) -> (i32, i32) {
    %c0_i32 = arith.constant 0 : i32
    %c0_i32_0 = arith.constant 0 : i32
    return %arg0, %c0_i32 : i32, i32
  }
}

module attributes {stable_mosaic.version = 14 : i64} {
  func.func @_tc_layer_body(%arg0: i32, %arg1: memref<1000x128xf32, #tpu.memory_space<vmem>>, %arg2: memref<2x1000x128xf32, #tpu.memory_space<vmem>>, %arg3: memref<1000x32xf32, #tpu.memory_space<vmem>>, %arg4: memref<128x128xf32, #tpu.memory_space<vmem>>, %arg5: memref<128x128xf32, #tpu.memory_space<vmem>>, %arg6: memref<1x128xf32, #tpu.memory_space<vmem>>, %arg7: memref<1000x128xf32, #tpu.memory_space<vmem>>) attributes {dimension_semantics = [#tpu.dimension_semantics<arbitrary>], iteration_bounds = array<i64: 10>, scalar_prefetch = 0 : i64, scratch_operands = 0 : i64, tpu.core_type = #tpu.core_type<tc>, window_params = [{transform_indices = @transform_0, window_bounds = array<i64: 1000, 128>}, {transform_indices = @transform_1, window_bounds = array<i64: 2, 1000, 128>}, {transform_indices = @transform_2, window_bounds = array<i64: 1000, 32>}, {pipeline_mode = #tpu.pipeline_mode<synchronous>, transform_indices = @transform_3, window_bounds = array<i64: 128, 128>}, {pipeline_mode = #tpu.pipeline_mode<synchronous>, transform_indices = @transform_4, window_bounds = array<i64: 128, 128>}, {pipeline_mode = #tpu.pipeline_mode<synchronous>, transform_indices = @transform_5, window_bounds = array<i64: 1, 128>}, {transform_indices = @transform_6, window_bounds = array<i64: 1000, 128>}]} {
    %get3A = arith.constant 0 : index
    %get3A_0 = arith.constant 0 : index
    %get3A_1 = arith.constant 0 : index
    %get3A_2 = vector.load %arg2[%get3A, %get3A_0, %get3A_1] : memref<2x1000x128xf32, #tpu.memory_space<vmem>>, vector<1x1000x128xf32>
    %get3A_3 = vector.shape_cast %get3A_2 : vector<1x1000x128xf32> to vector<1000x128xf32>
    %get3A_4 = arith.constant 1 : index
    %get3A_5 = arith.constant 0 : index
    %get3A_6 = arith.constant 0 : index
    %get3A_7 = vector.load %arg2[%get3A_4, %get3A_5, %get3A_6] : memref<2x1000x128xf32, #tpu.memory_space<vmem>>, vector<1x1000x128xf32>
    %get3A_8 = vector.shape_cast %get3A_7 : vector<1x1000x128xf32> to vector<1000x128xf32>
    %add3A = arith.addf %get3A_3, %get3A_8 : vector<1000x128xf32>
    %get3A_9 = arith.constant 0 : index
    %get3A_10 = arith.constant 0 : index
    %get3A_11 = vector.load %arg3[%get3A_9, %get3A_10] : memref<1000x32xf32, #tpu.memory_space<vmem>>, vector<1000x32xf32>
    %reduce_sum3A = arith.constant dense<0.000000e+00> : vector<1000xf32>
    %reduce_sum3A_12 = vector.multi_reduction <add>, %get3A_11, %reduce_sum3A [1] : vector<1000x32xf32> to vector<1000xf32>
    %max3A = arith.constant 1.000000e+00 : f32
    %max3A_13 = vector.broadcast %max3A : f32 to vector<1000xf32>
    %max3A_14 = arith.maximumf %reduce_sum3A_12, %max3A_13 : vector<1000xf32>
    %broadcast_in_dim3A = vector.shape_cast %max3A_14 : vector<1000xf32> to vector<1000x1xf32>
    %div3A = vector.broadcast %broadcast_in_dim3A : vector<1000x1xf32> to vector<1000x128xf32>
    %div3A_15 = arith.divf %add3A, %div3A : vector<1000x128xf32>
    %get3A_16 = arith.constant 0 : index
    %get3A_17 = arith.constant 0 : index
    %get3A_18 = vector.load %arg1[%get3A_16, %get3A_17] : memref<1000x128xf32, #tpu.memory_space<vmem>>, vector<1000x128xf32>
    %get3A_19 = arith.constant 0 : index
    %get3A_20 = arith.constant 0 : index
    %get3A_21 = vector.load %arg4[%get3A_19, %get3A_20] : memref<128x128xf32, #tpu.memory_space<vmem>>, vector<128x128xf32>
    %dot_general3A = arith.constant dense<0.000000e+00> : vector<1000x128xf32>
    %dot_general3A_22 = tpu.matmul %get3A_18, %get3A_21, %dot_general3A {dimension_numbers = #tpu.dot_dimension_numbers<[1], [0], [0], [1], [0, 0, 1, 1], [], []>, precision = #tpu.contract_precision<fp32>, transpose_lhs_hint = false} : vector<1000x128xf32>, vector<128x128xf32>, vector<1000x128xf32> -> vector<1000x128xf32>
    %get3A_23 = arith.constant 0 : index
    %get3A_24 = arith.constant 0 : index
    %get3A_25 = vector.load %arg5[%get3A_23, %get3A_24] : memref<128x128xf32, #tpu.memory_space<vmem>>, vector<128x128xf32>
    %dot_general3A_26 = arith.constant dense<0.000000e+00> : vector<1000x128xf32>
    %dot_general3A_27 = tpu.matmul %div3A_15, %get3A_25, %dot_general3A_26 {dimension_numbers = #tpu.dot_dimension_numbers<[1], [0], [0], [1], [0, 0, 1, 1], [], []>, precision = #tpu.contract_precision<fp32>, transpose_lhs_hint = false} : vector<1000x128xf32>, vector<128x128xf32>, vector<1000x128xf32> -> vector<1000x128xf32>
    %add3A_28 = arith.addf %dot_general3A_22, %dot_general3A_27 : vector<1000x128xf32>
    %get3A_29 = arith.constant 0 : index
    %get3A_30 = arith.constant 0 : index
    %get3A_31 = vector.load %arg6[%get3A_29, %get3A_30] : memref<1x128xf32, #tpu.memory_space<vmem>>, vector<1x128xf32>
    %add3A_32 = vector.broadcast %get3A_31 : vector<1x128xf32> to vector<1000x128xf32>
    %add3A_33 = arith.addf %add3A_28, %add3A_32 : vector<1000x128xf32>
    %swap3A = arith.constant 0 : index
    %swap3A_34 = arith.constant 0 : index
    %swap3A_35 = vector.load %arg7[%swap3A, %swap3A_34] : memref<1000x128xf32, #tpu.memory_space<vmem>>, vector<1000x128xf32>
    tpu.vector_store %arg7[%swap3A, %swap3A_34], %add3A_33 {strides = array<i32>} : memref<1000x128xf32, #tpu.memory_space<vmem>>, vector<1000x128xf32>,
    return
  }
  func.func @transform_0(%arg0: i32) -> (i32, i32) {
    %c0_i32 = arith.constant 0 : i32
    %c0_i32_0 = arith.constant 0 : i32
    return %arg0, %c0_i32 : i32, i32
  }
  func.func @transform_1(%arg0: i32) -> (i32, i32, i32) {
    %c0_i32 = arith.constant 0 : i32
    %c0_i32_0 = arith.constant 0 : i32
    %c0_i32_1 = arith.constant 0 : i32
    return %c0_i32, %arg0, %c0_i32_0 : i32, i32, i32
  }
  func.func @transform_2(%arg0: i32) -> (i32, i32) {
    %c0_i32 = arith.constant 0 : i32
    %c0_i32_0 = arith.constant 0 : i32
    return %arg0, %c0_i32 : i32, i32
  }
  func.func @transform_3(%arg0: i32) -> (i32, i32) {
    %c0_i32 = arith.constant 0 : i32
    %c0_i32_0 = arith.constant 0 : i32
    %c0_i32_1 = arith.constant 0 : i32
    return %c0_i32, %c0_i32_0 : i32, i32
  }
  func.func @transform_4(%arg0: i32) -> (i32, i32) {
    %c0_i32 = arith.constant 0 : i32
    %c0_i32_0 = arith.constant 0 : i32
    %c0_i32_1 = arith.constant 0 : i32
    return %c0_i32, %c0_i32_0 : i32, i32
  }
  func.func @transform_5(%arg0: i32) -> (i32, i32) {
    %c0_i32 = arith.constant 0 : i32
    %c0_i32_0 = arith.constant 0 : i32
    %c0_i32_1 = arith.constant 0 : i32
    return %c0_i32, %c0_i32_0 : i32, i32
  }
  func.func @transform_6(%arg0: i32) -> (i32, i32) {
    %c0_i32 = arith.constant 0 : i32
    %c0_i32_0 = arith.constant 0 : i32
    return %arg0, %c0_i32 : i32, i32
  }
}

</mosaic_0001>

<sc_bundles>
// kernel: kernel.10.cloned.1.call-start
scs
__scs_entry_jumppad:
0x0: {  	(pc) =	sbr.rel $0x88, $3  }
0x1: {  	(tag) =	ssettag $0x0;
	lr =	simm.s32 $0x1  }
0x2: {  	[smem:$0x3F99] =	sst lr;
	_ =	strace $0xD0000000  }
0x3: {  	_ = 	snop  }
0x4: {  	_ = 	snop  }
0x5: {  	_ = 	snop  }
0x6: {  	_ = 	snop  }
0x7: {  	_ = 	snop  }
__scs_overlays_trampoline_lowered:
0x8: {  	[smem:$0x3FA8] =	sst s0  }
0x9: {  	[smem:$0x3FA9] =	sst s1  }
0xa: {  	[smem:$0x3FAA] =	sst s2  }
0xb: {  	[smem:$0x3FAB] =	sst s3  }
0xc: {  	[smem:$0x3FAC] =	sst s4  }
0xd: {  	[smem:$0x3FAD] =	sst s5  }
0xe: {  	[smem:$0x3FAE] =	sst s6  }
0xf: {  	[smem:$0x3FAF] =	sst s7  }
0x10: {  	[smem:$0x3FB0] =	sst s8  }
0x11: {  	[smem:$0x3FB1] =	sst s9;
	s0 =	simm.s32 @!p0 $0x0  }
0x12: {  	s1 =	sld [smem:$0x3F97];
	s0 =	simm.s32 @p0 $0x1  }
0x13: {  	[smem:$0x3FB2] =	sst s0;
	s0 =	simm.s32 @!p1 $0x0  }
0x14: {  	s2 =	sld [smem:$0x3F96];
	s0 =	simm.s32 @p1 $0x1  }
0x15: {  	[smem:$0x3FB3] =	sst s0;
	s0 =	simm.s32 @!p2 $0x0  }
0x16: {  	s3 =	sld [smem:$0x3FDB];
	s0 =	simm.s32 @p2 $0x1  }
0x17: {  	s4 =	simm.s32 $0x1BF5;
	[smem:$0x3FB5] =	sst s0  }
0x18: {  	s0 =	sld [smem:$0x3F98];
	_ =	swait.ge [sflag:s4], $0x0  }
0x19: {  	s7 =	sld [smem:$0x3F99]  }
0x1a: {  	s8 =	sadd.s32 $0xFFFFE003, lr  }
0x1b: {  	s9 =	sadd.s32 $0xFFFFFEF7, lr;
	s5 =	simm.s32 $0xFFFFFFFF;
	p2 =	slt.u32 s8, $0xFFFFF086  }
0x1c: {  	p1 =	slt.u32 s9, $0xF7A;
	s5 =	simm.s32 @!p2 $0x0  }
0x1d: {  	s5 =	simm.s32 @p1 $0x1;
	p0 =	seq.s32 s7, s2  }
0x1e: {  	s7 =	smul.u32 @!p0 $0xF7A, s2;
	p2 =	seq.s32 @!p0 s5, $0x0  }
0x1f: {  	s9 =	smul.u32 $0xF7A, s1;
	s8 =	simm.s32 @!p0 $0x1BF5;
	p2 =	por !p2, p0  }
0x20: {  	[sflag:s8] =	ssyncset.s32 @!p0 $0xFFFFF086;
	s6 =	sadd.s32 @!p0 s3, s7;
	s7 =	simm.s32 @!p0 $0x108  }
0x21: {  	s3 =	sadd.s32 s3, s9;
	s6 =	sadd.s32 @!p0 $0x88, s6;
	s7 =	simm.s32 @p2 $0x1082  }
0x22: {  	[simem:s7], [sflag:s8] =	dma.local @!p0 [hbm:s6], $0xF7A  }
0x23: {  	s9 =	sor.u32 $0xD0000000, s2;
	s6 =	simm.s32 $0x108;
	_ =	swait.ge @!p0 [sflag:s8], $0x0  }
0x24: {  	s3 =	sadd.s32 $0x88, s3;
	s6 =	simm.s32 @!p1 $0x1082;
	[sflag:s4] =	ssyncset.s32 $0xFFFFF086  }
0x25: {  	[simem:s6], [sflag:s4] =	dma.local [hbm:s3], $0xF7A  }
0x26: {  	[smem:$0x3F99] =	sst s1;
	(tag) =	ssettag s2;
	_ =	strace s9  }
0x27: {  	s1 =	sld [smem:$0x3FA9]  }
0x28: {  	s2 =	sld [smem:$0x3FAA]  }
0x29: {  	s4 =	sld [smem:$0x3FAC]  }
0x2a: {  	p0 =	seq.s32 s5, $0x0;
	s5 =	sld [smem:$0x3FAD]  }
0x2b: {  	s6 =	sld [smem:$0x3FAE]  }
0x2c: {  	s7 =	sld [smem:$0x3FAF]  }
0x2d: {  	s3 =	simm.s32 $0x108;
	s8 =	sld [smem:$0x3FB0]  }
0x2e: {  	s3 =	simm.s32 @!p0 $0x1082;
	s9 =	sld [smem:$0x3FB1]  }
0x2f: {  	lr =	sadd.s32 s0, s3;
	s0 =	sld [smem:$0x3FA8]  }
0x30: {  	s3 =	sld [smem:$0x3FAB]  }
0x31: {  	[smem:$0x3FB4] =	sst s10  }
0x32: {  	s10 =	sld [smem:$0x3FB2];
	_ =	sdelay $0x3  }
0x33: {  	p0 =	seq.s32 s10, $0x1;
	s10 =	sld [smem:$0x3FB4];
	_ =	sdelay $0x3  }
0x34: {  	[smem:$0x3FB4] =	sst s10  }
0x35: {  	s10 =	sld [smem:$0x3FB3];
	_ =	sdelay $0x3  }
0x36: {  	p1 =	seq.s32 s10, $0x1;
	s10 =	sld [smem:$0x3FB4];
	_ =	sdelay $0x3  }
0x37: {  	[smem:$0x3FB4] =	sst s10  }
0x38: {  	s10 =	sld [smem:$0x3FB5]  }
0x39: {  	_ = 	snop;
	(pc) =	sbr.ind lr, $3  }
0x3a: {  	_ = 	snop  }
0x3b: {  	_ = 	snop  }
0x3c: {  	p2 =	seq.s32 s10, $0x1;
	s10 =	sld [smem:$0x3FB4]  }
0x3d: {  	_ =	shalt  }
0x3e: {  	_ =	shalt  }
0x3f: {  	_ =	shalt  }
0x40: {  	_ =	shalt  }
0x41: {  	_ =	shalt  }
0x42: {  	_ =	shalt  }
0x43: {  	_ =	shalt  }
0x44: {  	_ =	shalt  }
0x45: {  	_ =	shalt  }
0x46: {  	_ =	shalt  }
0x47: {  	_ =	shalt  }
0x48: {  	_ =	shalt  }
0x49: {  	_ =	shalt  }
0x4a: {  	_ =	shalt  }
0x4b: {  	_ =	shalt  }
0x4c: {  	_ =	shalt  }
0x4d: {  	_ =	shalt  }
0x4e: {  	_ =	shalt  }
0x4f: {  	_ =	shalt  }
0x50: {  	_ =	shalt  }
0x51: {  	_ =	shalt  }
0x52: {  	_ =	shalt  }
0x53: {  	_ =	shalt  }
0x54: {  	_ =	shalt  }
0x55: {  	_ =	shalt  }
0x56: {  	_ =	shalt  }
0x57: {  	_ =	shalt  }
0x58: {  	_ =	shalt  }
0x59: {  	_ =	shalt  }
0x5a: {  	_ =	shalt  }
0x5b: {  	_ =	shalt  }
0x5c: {  	_ =	shalt  }
0x5d: {  	_ =	shalt  }
0x5e: {  	_ =	shalt  }
0x5f: {  	_ =	shalt  }
0x60: {  	_ =	shalt  }
0x61: {  	_ =	shalt  }
0x62: {  	_ =	shalt  }
0x63: {  	_ =	shalt  }
0x64: {  	_ =	shalt  }
0x65: {  	_ =	shalt  }
0x66: {  	_ =	shalt  }
0x67: {  	_ =	shalt  }
0x68: {  	_ =	shalt  }
0x69: {  	_ =	shalt  }
0x6a: {  	_ =	shalt  }
0x6b: {  	_ =	shalt  }
0x6c: {  	_ =	shalt  }
0x6d: {  	_ =	shalt  }
0x6e: {  	_ =	shalt  }
0x6f: {  	_ =	shalt  }
0x70: {  	_ =	shalt  }
0x71: {  	_ =	shalt  }
0x72: {  	_ =	shalt  }
0x73: {  	_ =	shalt  }
0x74: {  	_ =	shalt  }
0x75: {  	_ =	shalt  }
0x76: {  	_ =	shalt  }
0x77: {  	_ =	shalt  }
0x78: {  	_ =	shalt  }
0x79: {  	_ =	shalt  }
0x7a: {  	_ =	shalt  }
0x7b: {  	_ =	shalt  }
0x7c: {  	_ =	shalt  }
0x7d: {  	_ =	shalt  }
0x7e: {  	_ =	shalt  }
0x7f: {  	_ =	shalt  }
0x80: {  	_ =	shalt  }
0x81: {  	_ =	shalt  }
0x82: {  	_ =	shalt  }
0x83: {  	_ =	shalt  }
0x84: {  	_ =	shalt  }
0x85: {  	_ =	shalt  }
0x86: {  	_ =	shalt  }
0x87: {  	_ =	shalt  }
.Lfunc_end0:
.L_simem_size_0:
called_computation.1_lowered:
.L_overlay_start_0:
0x88: {  	s2 =	sld [smem:$0x3FD9]  }
0x89: {  	s3 =	sld [smem:$0x3FFE];
	_ =	sdelay $0x1  }
0x8a: {  	s1 =	srdreg.scid  }
0x8b: {  	s0 =	sand.u32 $0x1, s1  }
0x8c: {  	s17 =	sshll.u32 s0, $0xA;
	s2 =	sadd.s32 s3, s2  }
0x8d: {  	s2 =	sadd.s32 s2, s17  }
0x8e: {  	[smem:$0x3FC0] =	sst s2  }
0x8f: {  	_ = 	snop  }
0x90: {  	s18 =	sld [smem:$0x3FC8];
	(tm) =	ssettm $0x1  }
0x91: {  	s19 =	sld [smem:$0x3FFB];
	_ =	sdelay $0x3  }
0x92: {  	_ =	strace s19  }
0x93: {  	s2 =	sld [smem:$0x3FFC];
	_ =	sdelay $0x3  }
0x94: {  	_ =	strace s2  }
0x95: {  	s2 =	sld [smem:$0x3FFD];
	_ =	sdelay $0x3  }
0x96: {  	_ =	strace s2  }
0x97: {  	_ =	strace $0x8FFFFFFF  }
0x98: {  	s20 =	sld [smem:$0x3FDB];
	_ =	sdelay $0x1  }
0x99: {  	s4 =	simm.s32 $_scs_section_size  }
0x9a: {  	s5 =	simm.s32 $_size__tile_overlayer_lowered;
	s6 =	simm.s32 $_tile_overlayer_lowered  }
0x9b: {  	s7 =	simm.s32 $0x1BFF;
	s21 =	sshll.u32 s6, $0x1;
	s4 =	sadd.s32 s4, s20  }
0x9c: {  	s22 =	simm.s32 $0x0;
	s5 =	sshll.u32 s5, $0x1;
	s6 =	sadd.s32 s21, s4  }
0x9d: {  	[timem:s22], [sflag:s7] =	dma.local [hbm:s6], s5  }
0x9e: {  	_ =	swait.ge [sflag:s7], s5  }
0x9f: {  	s5 =	ssub.s32 $0x0, s5;
	[sflag:s7] =	ssyncset.done $0x0  }
0xa0: {  	[sflag:s7] =	ssyncadd.s32 s5;
	_ =	sdelay $0x1  }
0xa1: {  	s23 =	simm.s32 $0x1B8B  }
0xa2: {  	_ =	swait.ge [sflag:s23], $0x1  }
0xa3: {  	[sflag:s23] =	ssyncset.done $0x0  }
0xa4: {  	[sflag:s23] =	ssyncadd.s32 $0xFFFFFFFF  }
0xa5: {  	s5 =	sld [smem:$0x0]  }
0xa6: {  	s6 =	sand.u32 $0xFFFFFFFE, s1  }
0xa7: {  	p0 =	sne.s32 s1, s6  }
0xa8: {  	s6 =	sshll.u32 @p0 s6, $0xE  }
0xa9: {  	s6 =	sadd.s32 @p0 $0x11B8D, s6;
	s7 =	sshll.u32 @p0 s5, $0x11  }
0xaa: {  	s6 =	sor.u32 @p0 s7, s6  }
0xab: {  	[sflag:s6] =	ssyncadd.remote.s32 @p0 $0x1;
	_ =	sdelay $0x1  }
0xac: {  	s6 =	simm.s32 @p0 $0x1B8D  }
0xad: {  	_ =	swait.eq @p0 [sflag:s6], $0x1  }
0xae: {  	[sflag:s6] =	ssyncadd.s32 @p0 $0xFFFFFFFF  }
0xaf: {  	s7 =	sshll.u32 @!p0 s1, $0xE  }
0xb0: {  	s7 =	sor.u32 @!p0 $0x4000, s7;
	s6 =	simm.s32 @!p0 $0x1B8D  }
0xb1: {  	s5 =	sshll.u32 @!p0 s5, $0x11;
	s7 =	sadd.s32 @!p0 $0x11B8D, s7;
	_ =	swait.eq @!p0 [sflag:s6], $0x1  }
0xb2: {  	s5 =	sor.u32 @!p0 s5, s7;
	[sflag:s6] =	ssyncadd.s32 @!p0 $0xFFFFFFFF  }
0xb3: {  	s25 =	simm.s32 $0x1B8E;
	s24 =	sld [smem:$0x3FFE];
	[sflag:s5] =	ssyncadd.remote.s32 @!p0 $0x1  }
0xb4: {  	s26 =	simm.s32 $execute0_lowered;
	[smem:$0x3FD2] =	sst s25  }
0xb5: {  	s6 =	sshll.u32 s26, $0x1;
	_ =	strace $0x80000049;
	[dreg:$0x1] =	wrdreg $0xFFFFFFFF  }
0xb6: {  	s28 =	simm.s32 $_size_execute0_lowered;
	s4 =	sadd.s32 s4, s6;
	[dreg:$0x0] =	wrdreg $0x0  }
0xb7: {  	s6 =	sshll.u32 s28, $0x1;
	[dreg:$0x2] =	wrdreg s4  }
0xb8: {  	[dreg:$0x3] =	wrdreg s6  }
0xb9: {  	[dreg:$0x4] =	wrdreg $0xC0  }
0xba: {  	_ =	task [dreg:s22], $0x5FFFF  }
0xbb: {  	[dreg:$0x1] =	wrdreg $0xFFFFFFFF  }
0xbc: {  	[dreg:$0x0] =	wrdreg $0x60  }
0xbd: {  	[dreg:$0x2] =	wrdreg s18  }
0xbe: {  	[dreg:$0x3] =	wrdreg s24  }
0xbf: {  	[dreg:$0x4] =	wrdreg $0x0  }
0xc0: {  	[dreg:$0x5] =	wrdreg $0xA  }
0xc1: {  	_ =	task.clear_ibuf [dreg:s22], $0x6FFFF;
	_ =	strace $0x90000049  }
0xc2: {  	s29 =	simm.s32 $0xA;
	_ =	strace $0x8000004B  }
0xc3: {  	_ =	swait.ge [sflag:s29], $0x1  }
0xc4: {  	[sflag:s29] =	ssyncadd.s32 $0xFFFFFFFF  }
0xc5: {  	_ =	strace $0x9000004B  }
0xc6: {  	_ =	sfence  }
0xc7: {  	s30 =	sld [smem:$0x0];
	_ =	sdelay $0x2  }
0xc8: {  	s31 =	sshll.u32 s1, $0xD;
	s1 =	sshrl.u32 s1, $0x2  }
0xc9: {  	s4 =	sand.u32 $0x4000, s31;
	s1 =	sadd.s32 s1, s30  }
0xca: {  	s0 =	sor.u32 s4, s0;
	s1 =	sshll.u32 s1, $0x11  }
0xcb: {  	s0 =	sor.u32 s1, s0  }
0xcc: {  	s0 =	sadd.s32 $0x8F2B, s0  }
0xcd: {  	[sflag:s0] =	ssyncadd.remote.s32 $0x1  }
0xce: {  	_ =	sfence.sel $0xFFFF  }
0xcf: {  	[dreg:$0x0] =	wrdreg $0xFFFFFFFF;
	(pc) =	sbr.abs _section_cstart, $3  }
0xd0: {  	[dreg:$0x1] =	wrdreg $0xFFFFFFFF  }
0xd1: {  	_ =	task.clear_ibuf [dreg:s22], $0x2FFFF;
	_ =	strace $0x9FFFFFFF  }
0xd2: {  	(tm) =	ssettm $0x7FFFFFFF  }
0xd3: {  	_ =	shalt  }
tec
execute0_lowered:
.L_overlay_start_1:
0x0: {  	(tag) =	ssettag $0x1  }
0x1: {  	s0 =	srdreg.scid  }
0x2: {  	s1 =	rddreg [dreg:$0x0];
	s7 =	sand.u32 $0x1, s0  }
0x3: {  	s0 =	stileid.u32;
	s5 =	smul.u32 $0x4F000, s7  }
0x4: {  	s6 =	rddreg [dreg:$0x1];
	s8 =	smul.u32 $0x4F00, s0  }
0x5: {  	s3 =	rddreg [dreg:$0x2];
	s24 =	smul.u32 $0x28000, s7  }
0x6: {  	s2 =	rddreg [dreg:$0x3];
	s4 =	simm.s32 $0x0;
	s9 =	smul.u32 $0x280, s0  }
0x7: {  	s18 =	simm.s32 $0x14080;
	[smem:$0x7FF] =	sst s4;
	s10 =	smul.u32 $0x50000, s0  }
0x8: {  	_ =	strace $0x8000004A;
	s25 =	ssub.s32 $0x2, s7;
	s19 =	smul.u32 $0x2800, s0  }
0x9: {  	s7 =	sshrl.u32 s25, $0x1;
	s5 =	sadd.s32 s8, s5;
	s11 =	sadd.s32 s24, s6  }
0xa: {  	s26 =	sshrl.u32 s10, $0x2;
	s13 =	sadd.s32 $0x80, s9;
	s14 =	ssub.s32 s25, s7  }
0xb: {  	s15 =	sadd.s32 $0x100, s9;
	s16 =	sadd.s32 $0x180, s9;
	s17 =	sadd.s32 $0x200, s9  }
0xc: {  	s5 =	sshrl.u32 s5, $0x3;
	s28 =	sshll.u32 s13, $0x7;
	s29 =	sshll.u32 s15, $0x7  }
0xd: {  	s30 =	sshll.u32 s16, $0x7;
	s31 =	sshll.u32 s17, $0x7;
	s23 =	sadd.s32 $0x20200, s11  }
0xe: {  	s20 =	sshll.u32 s13, $0x4;
	s21 =	sshll.u32 s15, $0x4;
	s22 =	sshll.u32 s16, $0x4  }
0xf: {  	s24 =	sshll.u32 s17, $0x4;
	s11 =	smax.u32 s14, $0x1;
	s13 =	simm.s32 $0x14100  }
0x10: {  	s14 =	simm.s32 $0x2;
	s15 =	simm.s32 $0x14000;
	s16 =	simm.s32 $0x80  }
0x11: {  	s17 =	simm.s32 $0x1;
	s12 =	sadd.s32 s5, s6;
	s5 =	sadd.s32 $0x1FA00, s6  }
0x12: {  	s6 =	sadd.s32 s26, s3;
	s7 =	sadd.s32 s28, s3;
	s8 =	sadd.s32 s29, s3  }
0x13: {  	s9 =	sadd.s32 s30, s3;
	s10 =	sadd.s32 s31, s3;
	s19 =	sadd.s32 s19, s23  }
0x14: {  	s20 =	sadd.s32 s20, s23;
	s21 =	sadd.s32 s21, s23;
	s22 =	sadd.s32 s22, s23  }
0x15: {  	s23 =	sadd.s32 s24, s23;
	s24 =	simm.s32 $0x0;
	s12 =	sadd.s32 $0xBE00, s12  }
.LBB2_1:
0x16: {  	[tilespmem:s13], [sflag:$0x2] =	stream.linear.gather [hbm4b:s5+s4], $0x4000, $0x38;
	[tilespmem:$0x18100] =	vst v63  }
0x17: {  	_ =	swait.ge [sflag:s14], $0x4000  }
0x18: {  	[sflag:s14] =	ssyncset.done $0x0  }
0x19: {  	[sflag:s14] =	ssyncadd.s32 $0xFFFFC000  }
0x1a: {  	[spmem:s6] =	stream.linear.scatter [tilespmem:s13], [sflag:$0x2], $0x4000, $0x38;
	[tilespmem:$0x18100] =	vst v63  }
0x1b: {  	_ =	swait.ge [sflag:s14], $0x4000  }
0x1c: {  	[sflag:s14] =	ssyncset.done $0x0  }
0x1d: {  	[sflag:s14] =	ssyncadd.s32 $0xFFFFC000  }
0x1e: {  	[spmem:s7] =	stream.linear.scatter [tilespmem:s13], [sflag:$0x2], $0x4000, $0x38;
	[tilespmem:$0x18100] =	vst v63  }
0x1f: {  	_ =	swait.ge [sflag:s14], $0x4000  }
0x20: {  	[sflag:s14] =	ssyncset.done $0x0  }
0x21: {  	[sflag:s14] =	ssyncadd.s32 $0xFFFFC000  }
0x22: {  	[spmem:s8] =	stream.linear.scatter [tilespmem:s13], [sflag:$0x2], $0x4000, $0x38;
	[tilespmem:$0x18100] =	vst v63  }
0x23: {  	_ =	swait.ge [sflag:s14], $0x4000  }
0x24: {  	[sflag:s14] =	ssyncset.done $0x0  }
0x25: {  	[sflag:s14] =	ssyncadd.s32 $0xFFFFC000  }
0x26: {  	[spmem:s9] =	stream.linear.scatter [tilespmem:s13], [sflag:$0x2], $0x4000, $0x38;
	[tilespmem:$0x18100] =	vst v63  }
0x27: {  	_ =	swait.ge [sflag:s14], $0x4000  }
0x28: {  	[sflag:s14] =	ssyncset.done $0x0  }
0x29: {  	[sflag:s14] =	ssyncadd.s32 $0xFFFFC000  }
0x2a: {  	[spmem:s10] =	stream.linear.scatter [tilespmem:s13], [sflag:$0x2], $0x4000, $0x38;
	[tilespmem:$0x18100] =	vst v63  }
0x2b: {  	_ =	swait.ge [sflag:s14], $0x4000  }
0x2c: {  	[sflag:s14] =	ssyncset.done $0x0  }
0x2d: {  	[sflag:s14] =	ssyncadd.s32 $0xFFFFC000  }
0x2e: {  	s25 =	sadd.s32 $0x0, s12;
	[bflag:$0x0] =	sbarrier.arrive $0xFFFF  }
0x2f: {  	[tilespmem:s15], [sflag:$0x2] =	stream.linear.gather [hbm4b:s25+s4], $0x100, $0x38;
	[tilespmem:$0x18100] =	vst v63  }
0x30: {  	_ =	swait.ge [sflag:s14], $0x100  }
0x31: {  	[sflag:s14] =	ssyncset.done $0x0  }
0x32: {  	[sflag:s14] =	ssyncadd.s32 $0xFFFFFF00  }
0x33: {  	[tilespmem:s13], [sflag:$0x1] =	stream.indirect.gather [hbm4b:s1+s16], $0x80, s15, s16, $0xb8;
	[tilespmem:$0x18100] =	vst v63  }
0x34: {  	_ =	swait.ge [sflag:s17], $0x4000  }
0x35: {  	[sflag:s17] =	ssyncset.done $0x0  }
0x36: {  	[sflag:s17] =	ssyncadd.s32 $0xFFFFC000  }
0x37: {  	[spmem:s3] =	stream.indirect.scatter.add.f32 [tilespmem:s13], [sflag:$0x2], $0x80, s18, s16, $0xb8;
	[tilespmem:$0x18100] =	vst v63  }
0x38: {  	_ =	swait.ge [sflag:s14], $0x4000  }
0x39: {  	s26 =	simm.s32 $0x40;
	s25 =	simm.s32 $0x20;
	[sflag:s14] =	ssyncset.done $0x0  }
.LBB2_2:
0x3a: {  	s28 =	sadd.s32 s25, s12  }
0x3b: {  	[sflag:s14] =	ssyncadd.s32 $0xFFFFC000;
	s25 =	smov.u32 s26;
	s29 =	sadd.s32 $0x20, s26  }
0x3c: {  	[tilespmem:s15], [sflag:$0x2] =	stream.linear.gather [hbm4b:s28+s4], $0x100, $0x38;
	[tilespmem:$0x18100] =	vst v63  }
0x3d: {  	p0 =	sne.s32 s26, $0x9C0;
	_ =	swait.ge [sflag:s14], $0x100  }
0x3e: {  	[sflag:s14] =	ssyncset.done $0x0  }
0x3f: {  	[sflag:s14] =	ssyncadd.s32 $0xFFFFFF00  }
0x40: {  	[tilespmem:s13], [sflag:$0x1] =	stream.indirect.gather [hbm4b:s1+s16], $0x80, s15, s16, $0xb8;
	[tilespmem:$0x18100] =	vst v63  }
0x41: {  	_ =	swait.ge [sflag:s17], $0x4000  }
.Ltmp0:
0x42: {  	[sflag:s17] =	ssyncset.done $0x0;
	(pc) =	sbr.rel @p0 .LBB2_2-.Ltmp0, $4  }
0x43: {  	[sflag:s17] =	ssyncadd.s32 $0xFFFFC000  }
0x44: {  	[spmem:s3] =	stream.indirect.scatter.add.f32 [tilespmem:s13], [sflag:$0x2], $0x80, s18, s16, $0xb8;
	[tilespmem:$0x18100] =	vst v63  }
0x45: {  	_ =	swait.ge [sflag:s14], $0x4000  }
0x46: {  	s26 =	smov.u32 s29;
	[sflag:s14] =	ssyncset.done $0x0  }
0x47: {  	s25 =	sadd.s32 s25, s12;
	[sflag:s14] =	ssyncadd.s32 $0xFFFFC000  }
0x48: {  	[tilespmem:s15], [sflag:$0x2] =	stream.linear.gather [hbm4b:s25+s4], $0x100, $0x38;
	[tilespmem:$0x18100] =	vst v63  }
0x49: {  	_ =	swait.ge [sflag:s14], $0x100  }
0x4a: {  	[sflag:s14] =	ssyncset.done $0x0  }
0x4b: {  	[sflag:s14] =	ssyncadd.s32 $0xFFFFFF00  }
0x4c: {  	[tilespmem:s13], [sflag:$0x1] =	stream.indirect.gather [hbm4b:s1+s16], $0x80, s15, s16, $0xb8;
	[tilespmem:$0x18100] =	vst v63  }
0x4d: {  	_ =	swait.ge [sflag:s17], $0x4000  }
0x4e: {  	[sflag:s17] =	ssyncset.done $0x0  }
0x4f: {  	[sflag:s17] =	ssyncadd.s32 $0xFFFFC000  }
0x50: {  	[spmem:s3] =	stream.indirect.scatter.add.f32 [tilespmem:s13], [sflag:$0x2], $0x80, s18, s16, $0xb8;
	[tilespmem:$0x18100] =	vst v63  }
0x51: {  	_ =	swait.ge [sflag:s14], $0x4000  }
0x52: {  	[sflag:s14] =	ssyncset.done $0x0  }
0x53: {  	[sflag:s14] =	ssyncadd.s32 $0xFFFFC000  }
0x54: {  	[bflag:$0x0] =	sbarrier.arrive $0xFFFF  }
0x55: {  	[tilespmem:s13], [sflag:$0x2] =	stream.linear.gather [spmem:s6], $0x4000, $0x38;
	[tilespmem:$0x18100] =	vst v63  }
0x56: {  	_ =	swait.ge [sflag:s14], $0x4000  }
0x57: {  	[sflag:s14] =	ssyncset.done $0x0  }
0x58: {  	[sflag:s14] =	ssyncadd.s32 $0xFFFFC000  }
0x59: {  	[hbm4b:s19+s4] =	stream.linear.scatter [tilespmem:s13], [sflag:$0x2], $0x4000, $0x38;
	[tilespmem:$0x18100] =	vst v63  }
0x5a: {  	_ =	swait.ge [sflag:s14], $0x4000  }
0x5b: {  	[sflag:s14] =	ssyncset.done $0x0  }
0x5c: {  	[sflag:s14] =	ssyncadd.s32 $0xFFFFC000  }
0x5d: {  	[tilespmem:s13], [sflag:$0x2] =	stream.linear.gather [spmem:s7], $0x4000, $0x38;
	[tilespmem:$0x18100] =	vst v63  }
0x5e: {  	_ =	swait.ge [sflag:s14], $0x4000  }
0x5f: {  	[sflag:s14] =	ssyncset.done $0x0  }
0x60: {  	[sflag:s14] =	ssyncadd.s32 $0xFFFFC000  }
0x61: {  	[hbm4b:s20+s4] =	stream.linear.scatter [tilespmem:s13], [sflag:$0x2], $0x4000, $0x38;
	[tilespmem:$0x18100] =	vst v63  }
0x62: {  	_ =	swait.ge [sflag:s14], $0x4000  }
0x63: {  	[sflag:s14] =	ssyncset.done $0x0  }
0x64: {  	[sflag:s14] =	ssyncadd.s32 $0xFFFFC000  }
0x65: {  	[tilespmem:s13], [sflag:$0x2] =	stream.linear.gather [spmem:s8], $0x4000, $0x38;
	[tilespmem:$0x18100] =	vst v63  }
0x66: {  	_ =	swait.ge [sflag:s14], $0x4000  }
0x67: {  	[sflag:s14] =	ssyncset.done $0x0  }
0x68: {  	[sflag:s14] =	ssyncadd.s32 $0xFFFFC000  }
0x69: {  	[hbm4b:s21+s4] =	stream.linear.scatter [tilespmem:s13], [sflag:$0x2], $0x4000, $0x38;
	[tilespmem:$0x18100] =	vst v63  }
0x6a: {  	_ =	swait.ge [sflag:s14], $0x4000  }
0x6b: {  	[sflag:s14] =	ssyncset.done $0x0  }
0x6c: {  	[sflag:s14] =	ssyncadd.s32 $0xFFFFC000  }
0x6d: {  	[tilespmem:s13], [sflag:$0x2] =	stream.linear.gather [spmem:s9], $0x4000, $0x38;
	[tilespmem:$0x18100] =	vst v63  }
0x6e: {  	_ =	swait.ge [sflag:s14], $0x4000  }
0x6f: {  	[sflag:s14] =	ssyncset.done $0x0  }
0x70: {  	[sflag:s14] =	ssyncadd.s32 $0xFFFFC000  }
0x71: {  	[hbm4b:s22+s4] =	stream.linear.scatter [tilespmem:s13], [sflag:$0x2], $0x4000, $0x38;
	[tilespmem:$0x18100] =	vst v63  }
0x72: {  	_ =	swait.ge [sflag:s14], $0x4000  }
0x73: {  	[sflag:s14] =	ssyncset.done $0x0  }
0x74: {  	[sflag:s14] =	ssyncadd.s32 $0xFFFFC000  }
0x75: {  	[tilespmem:s13], [sflag:$0x2] =	stream.linear.gather [spmem:s10], $0x4000, $0x38;
	[tilespmem:$0x18100] =	vst v63  }
0x76: {  	s24 =	sadd.s32 $0x1, s24;
	_ =	swait.ge [sflag:s14], $0x4000  }
0x77: {  	p0 =	sne.s32 s24, s11;
	[sflag:s14] =	ssyncset.done $0x0  }
.Ltmp1:
0x78: {  	[sflag:s14] =	ssyncadd.s32 $0xFFFFC000;
	(pc) =	sbr.rel @p0 .LBB2_1-.Ltmp1, $4  }
0x79: {  	[hbm4b:s23+s4] =	stream.linear.scatter [tilespmem:s13], [sflag:$0x2], $0x4000, $0x38;
	[tilespmem:$0x18100] =	vst v63  }
0x7a: {  	_ =	swait.ge [sflag:s14], $0x4000  }
0x7b: {  	[sflag:s14] =	ssyncset.done $0x0  }
0x7c: {  	[sflag:s14] =	ssyncadd.s32 $0xFFFFC000  }
0x7d: {  	_ =	sfence.sel $0x180000  }
0x7e: {  	[bflag:$0x0] =	sbarrier.arrive $0xFFFF  }
0x7f: {  	p0 =	sne.s32 s0, $0x0;
	_ =	strace $0x9000004A  }
0x80: {  	s0 =	sadd.s32 @!p0 $0x100000, s2;
	[bflag:$0x2] =	sbarrier.arrive $0xFFFF  }
0x81: {  	[sflag:s0] =	ssyncadd.tile.s32 @!p0 $0x1;
	_ =	shalt  }
.Lfunc_end2:
_tile_overlayer_lowered:
.L_overlay_start_2:
0x82: {  	(tag) =	ssettag $0x2  }
0x83: {  	s0 =	rddreg [dreg:$0x0];
	s2 =	stileid.u32  }
0x84: {  	s1 =	rddreg [dreg:$0x1];
	p0 =	sne.s32 s2, $0x0  }
0x85: {  	s3 =	rddreg [dreg:$0x2];
	[bflag:$0x3] =	sbarrier.arrive $0xFFFF;
	s2 =	simm.s32 @!p0 $0x1C02  }
0x86: {  	[timem:s3], [sflag:s2] =	dma.local @!p0 [hbm:s0], s1  }
0x87: {  	s0 =	simm.s32 @!p0 $0x2  }
0x88: {  	_ =	swait.ge @!p0 [sflag:s0], s1  }
0x89: {  	s1 =	ssub.s32 @!p0 $0x0, s1;
	[sflag:s0] =	ssyncset.done @!p0 $0x0  }
0x8a: {  	[sflag:s0] =	ssyncadd.s32 @!p0 s1  }
0x8b: {  	[bflag:$0x3] =	sbarrier.arrive $0xFFFF  }
0x8c: {  	_ =	shalt  }

// kernel: kernel.13.cloned.1.call-start
scs
__scs_entry_jumppad:
0x0: {  	(pc) =	sbr.rel $0x88, $3  }
0x1: {  	(tag) =	ssettag $0x0;
	lr =	simm.s32 $0x1  }
0x2: {  	[smem:$0x3F99] =	sst lr;
	_ =	strace $0xD0000000  }
0x3: {  	_ = 	snop  }
0x4: {  	_ = 	snop  }
0x5: {  	_ = 	snop  }
0x6: {  	_ = 	snop  }
0x7: {  	_ = 	snop  }
__scs_overlays_trampoline_lowered:
0x8: {  	[smem:$0x3FA8] =	sst s0  }
0x9: {  	[smem:$0x3FA9] =	sst s1  }
0xa: {  	[smem:$0x3FAA] =	sst s2  }
0xb: {  	[smem:$0x3FAB] =	sst s3  }
0xc: {  	[smem:$0x3FAC] =	sst s4  }
0xd: {  	[smem:$0x3FAD] =	sst s5  }
0xe: {  	[smem:$0x3FAE] =	sst s6  }
0xf: {  	[smem:$0x3FAF] =	sst s7  }
0x10: {  	[smem:$0x3FB0] =	sst s8  }
0x11: {  	[smem:$0x3FB1] =	sst s9;
	s0 =	simm.s32 @!p0 $0x0  }
0x12: {  	s1 =	sld [smem:$0x3F97];
	s0 =	simm.s32 @p0 $0x1  }
0x13: {  	[smem:$0x3FB2] =	sst s0;
	s0 =	simm.s32 @!p1 $0x0  }
0x14: {  	s2 =	sld [smem:$0x3F96];
	s0 =	simm.s32 @p1 $0x1  }
0x15: {  	[smem:$0x3FB3] =	sst s0;
	s0 =	simm.s32 @!p2 $0x0  }
0x16: {  	s3 =	sld [smem:$0x3FDB];
	s0 =	simm.s32 @p2 $0x1  }
0x17: {  	s4 =	simm.s32 $0x1BF5;
	[smem:$0x3FB5] =	sst s0  }
0x18: {  	s0 =	sld [smem:$0x3F98];
	_ =	swait.ge [sflag:s4], $0x0  }
0x19: {  	s7 =	sld [smem:$0x3F99]  }
0x1a: {  	s8 =	sadd.s32 $0xFFFFE003, lr  }
0x1b: {  	s9 =	sadd.s32 $0xFFFFFEF7, lr;
	s5 =	simm.s32 $0xFFFFFFFF;
	p2 =	slt.u32 s8, $0xFFFFF086  }
0x1c: {  	p1 =	slt.u32 s9, $0xF7A;
	s5 =	simm.s32 @!p2 $0x0  }
0x1d: {  	s5 =	simm.s32 @p1 $0x1;
	p0 =	seq.s32 s7, s2  }
0x1e: {  	s7 =	smul.u32 @!p0 $0xF7A, s2;
	p2 =	seq.s32 @!p0 s5, $0x0  }
0x1f: {  	s9 =	smul.u32 $0xF7A, s1;
	s8 =	simm.s32 @!p0 $0x1BF5;
	p2 =	por !p2, p0  }
0x20: {  	[sflag:s8] =	ssyncset.s32 @!p0 $0xFFFFF086;
	s6 =	sadd.s32 @!p0 s3, s7;
	s7 =	simm.s32 @!p0 $0x108  }
0x21: {  	s3 =	sadd.s32 s3, s9;
	s6 =	sadd.s32 @!p0 $0x88, s6;
	s7 =	simm.s32 @p2 $0x1082  }
0x22: {  	[simem:s7], [sflag:s8] =	dma.local @!p0 [hbm:s6], $0xF7A  }
0x23: {  	s9 =	sor.u32 $0xD0000000, s2;
	s6 =	simm.s32 $0x108;
	_ =	swait.ge @!p0 [sflag:s8], $0x0  }
0x24: {  	s3 =	sadd.s32 $0x88, s3;
	s6 =	simm.s32 @!p1 $0x1082;
	[sflag:s4] =	ssyncset.s32 $0xFFFFF086  }
0x25: {  	[simem:s6], [sflag:s4] =	dma.local [hbm:s3], $0xF7A  }
0x26: {  	[smem:$0x3F99] =	sst s1;
	(tag) =	ssettag s2;
	_ =	strace s9  }
0x27: {  	s1 =	sld [smem:$0x3FA9]  }
0x28: {  	s2 =	sld [smem:$0x3FAA]  }
0x29: {  	s4 =	sld [smem:$0x3FAC]  }
0x2a: {  	p0 =	seq.s32 s5, $0x0;
	s5 =	sld [smem:$0x3FAD]  }
0x2b: {  	s6 =	sld [smem:$0x3FAE]  }
0x2c: {  	s7 =	sld [smem:$0x3FAF]  }
0x2d: {  	s3 =	simm.s32 $0x108;
	s8 =	sld [smem:$0x3FB0]  }
0x2e: {  	s3 =	simm.s32 @!p0 $0x1082;
	s9 =	sld [smem:$0x3FB1]  }
0x2f: {  	lr =	sadd.s32 s0, s3;
	s0 =	sld [smem:$0x3FA8]  }
0x30: {  	s3 =	sld [smem:$0x3FAB]  }
0x31: {  	[smem:$0x3FB4] =	sst s10  }
0x32: {  	s10 =	sld [smem:$0x3FB2];
	_ =	sdelay $0x3  }
0x33: {  	p0 =	seq.s32 s10, $0x1;
	s10 =	sld [smem:$0x3FB4];
	_ =	sdelay $0x3  }
0x34: {  	[smem:$0x3FB4] =	sst s10  }
0x35: {  	s10 =	sld [smem:$0x3FB3];
	_ =	sdelay $0x3  }
0x36: {  	p1 =	seq.s32 s10, $0x1;
	s10 =	sld [smem:$0x3FB4];
	_ =	sdelay $0x3  }
0x37: {  	[smem:$0x3FB4] =	sst s10  }
0x38: {  	s10 =	sld [smem:$0x3FB5]  }
0x39: {  	_ = 	snop;
	(pc) =	sbr.ind lr, $3  }
0x3a: {  	_ = 	snop  }
0x3b: {  	_ = 	snop  }
0x3c: {  	p2 =	seq.s32 s10, $0x1;
	s10 =	sld [smem:$0x3FB4]  }
0x3d: {  	_ =	shalt  }
0x3e: {  	_ =	shalt  }
0x3f: {  	_ =	shalt  }
0x40: {  	_ =	shalt  }
0x41: {  	_ =	shalt  }
0x42: {  	_ =	shalt  }
0x43: {  	_ =	shalt  }
0x44: {  	_ =	shalt  }
0x45: {  	_ =	shalt  }
0x46: {  	_ =	shalt  }
0x47: {  	_ =	shalt  }
0x48: {  	_ =	shalt  }
0x49: {  	_ =	shalt  }
0x4a: {  	_ =	shalt  }
0x4b: {  	_ =	shalt  }
0x4c: {  	_ =	shalt  }
0x4d: {  	_ =	shalt  }
0x4e: {  	_ =	shalt  }
0x4f: {  	_ =	shalt  }
0x50: {  	_ =	shalt  }
0x51: {  	_ =	shalt  }
0x52: {  	_ =	shalt  }
0x53: {  	_ =	shalt  }
0x54: {  	_ =	shalt  }
0x55: {  	_ =	shalt  }
0x56: {  	_ =	shalt  }
0x57: {  	_ =	shalt  }
0x58: {  	_ =	shalt  }
0x59: {  	_ =	shalt  }
0x5a: {  	_ =	shalt  }
0x5b: {  	_ =	shalt  }
0x5c: {  	_ =	shalt  }
0x5d: {  	_ =	shalt  }
0x5e: {  	_ =	shalt  }
0x5f: {  	_ =	shalt  }
0x60: {  	_ =	shalt  }
0x61: {  	_ =	shalt  }
0x62: {  	_ =	shalt  }
0x63: {  	_ =	shalt  }
0x64: {  	_ =	shalt  }
0x65: {  	_ =	shalt  }
0x66: {  	_ =	shalt  }
0x67: {  	_ =	shalt  }
0x68: {  	_ =	shalt  }
0x69: {  	_ =	shalt  }
0x6a: {  	_ =	shalt  }
0x6b: {  	_ =	shalt  }
0x6c: {  	_ =	shalt  }
0x6d: {  	_ =	shalt  }
0x6e: {  	_ =	shalt  }
0x6f: {  	_ =	shalt  }
0x70: {  	_ =	shalt  }
0x71: {  	_ =	shalt  }
0x72: {  	_ =	shalt  }
0x73: {  	_ =	shalt  }
0x74: {  	_ =	shalt  }
0x75: {  	_ =	shalt  }
0x76: {  	_ =	shalt  }
0x77: {  	_ =	shalt  }
0x78: {  	_ =	shalt  }
0x79: {  	_ =	shalt  }
0x7a: {  	_ =	shalt  }
0x7b: {  	_ =	shalt  }
0x7c: {  	_ =	shalt  }
0x7d: {  	_ =	shalt  }
0x7e: {  	_ =	shalt  }
0x7f: {  	_ =	shalt  }
0x80: {  	_ =	shalt  }
0x81: {  	_ =	shalt  }
0x82: {  	_ =	shalt  }
0x83: {  	_ =	shalt  }
0x84: {  	_ =	shalt  }
0x85: {  	_ =	shalt  }
0x86: {  	_ =	shalt  }
0x87: {  	_ =	shalt  }
.Lfunc_end0:
.L_simem_size_0:
called_computation.2_lowered:
.L_overlay_start_0:
0x88: {  	s2 =	sld [smem:$0x3FD9]  }
0x89: {  	s3 =	sld [smem:$0x3FFE];
	_ =	sdelay $0x1  }
0x8a: {  	s1 =	srdreg.scid  }
0x8b: {  	s0 =	sand.u32 $0x1, s1  }
0x8c: {  	s17 =	sshll.u32 s0, $0xA;
	s2 =	sadd.s32 s3, s2  }
0x8d: {  	s2 =	sadd.s32 s2, s17  }
0x8e: {  	[smem:$0x3FC0] =	sst s2  }
0x8f: {  	_ = 	snop  }
0x90: {  	s2 =	sld [smem:$0x3FD0];
	(tm) =	ssettm $0x1  }
0x91: {  	s18 =	sld [smem:$0x3FFB];
	_ =	sdelay $0x3  }
0x92: {  	_ =	strace s18  }
0x93: {  	s3 =	sld [smem:$0x3FFC];
	_ =	sdelay $0x3  }
0x94: {  	_ =	strace s3  }
0x95: {  	s3 =	sld [smem:$0x3FFD];
	_ =	sdelay $0x3  }
0x96: {  	_ =	strace s3  }
0x97: {  	_ =	strace $0x8FFFFFFF  }
0x98: {  	s19 =	sld [smem:$0x3FDB];
	_ =	sdelay $0x1  }
0x99: {  	s4 =	simm.s32 $_scs_section_size  }
0x9a: {  	s5 =	simm.s32 $_size__tile_overlayer_lowered;
	s6 =	simm.s32 $_tile_overlayer_lowered  }
0x9b: {  	s22 =	simm.s32 $0x1BFF;
	s21 =	sshll.u32 s6, $0x1;
	s3 =	sadd.s32 s4, s19  }
0x9c: {  	s7 =	simm.s32 $0x0;
	s20 =	sshll.u32 s5, $0x1;
	s5 =	sadd.s32 s21, s3  }
0x9d: {  	[timem:s7], [sflag:s22] =	dma.local [hbm:s5], s20  }
0x9e: {  	_ =	swait.ge [sflag:s22], s20  }
0x9f: {  	s4 =	ssub.s32 $0x0, s20;
	[sflag:s22] =	ssyncset.done $0x0  }
0xa0: {  	[sflag:s22] =	ssyncadd.s32 s4;
	_ =	sdelay $0x1  }
0xa1: {  	s23 =	simm.s32 $0x1B8B  }
0xa2: {  	_ =	swait.ge [sflag:s23], $0x1  }
0xa3: {  	[sflag:s23] =	ssyncset.done $0x0  }
0xa4: {  	s25 =	simm.s32 $0x1B8E;
	s24 =	sld [smem:$0x3FFE];
	[sflag:s23] =	ssyncadd.s32 $0xFFFFFFFF  }
0xa5: {  	s26 =	simm.s32 $execute0_lowered;
	[smem:$0x3FD2] =	sst s25  }
0xa6: {  	s5 =	sshll.u32 s26, $0x1;
	_ =	strace $0x8000004C;
	[dreg:$0x1] =	wrdreg $0xFFFFFFFF  }
0xa7: {  	s28 =	simm.s32 $_size_execute0_lowered;
	s3 =	sadd.s32 s3, s5;
	[dreg:$0x0] =	wrdreg $0x0  }
0xa8: {  	s5 =	sshll.u32 s28, $0x1;
	[dreg:$0x2] =	wrdreg s3  }
0xa9: {  	[dreg:$0x3] =	wrdreg s5  }
0xaa: {  	[dreg:$0x4] =	wrdreg $0xC0  }
0xab: {  	_ =	task [dreg:s7], $0x5FFFF  }
0xac: {  	[dreg:$0x1] =	wrdreg $0xFFFFFFFF  }
0xad: {  	[dreg:$0x0] =	wrdreg $0x60  }
0xae: {  	[dreg:$0x2] =	wrdreg s2  }
0xaf: {  	[dreg:$0x3] =	wrdreg s24  }
0xb0: {  	[dreg:$0x4] =	wrdreg $0x0  }
0xb1: {  	[dreg:$0x5] =	wrdreg $0x9  }
0xb2: {  	_ =	task.clear_ibuf [dreg:s7], $0x6FFFF;
	_ =	strace $0x9000004C  }
0xb3: {  	s29 =	simm.s32 $0x9;
	_ =	strace $0x8000004E  }
0xb4: {  	_ =	swait.ge [sflag:s29], $0x1  }
0xb5: {  	[sflag:s29] =	ssyncadd.s32 $0xFFFFFFFF  }
0xb6: {  	_ =	strace $0x9000004E  }
0xb7: {  	_ =	sfence  }
0xb8: {  	s30 =	sld [smem:$0x0];
	_ =	sdelay $0x2  }
0xb9: {  	s31 =	sshll.u32 s1, $0xD;
	s1 =	sshrl.u32 s1, $0x2  }
0xba: {  	s3 =	sand.u32 $0x4000, s31;
	s1 =	sadd.s32 s1, s30  }
0xbb: {  	s0 =	sor.u32 s3, s0;
	s1 =	sshll.u32 s1, $0x11  }
0xbc: {  	s0 =	sor.u32 s1, s0  }
0xbd: {  	s0 =	sadd.s32 $0x8F2B, s0  }
0xbe: {  	[sflag:s0] =	ssyncadd.remote.s32 $0x1  }
0xbf: {  	_ =	sfence.sel $0xFFFF  }
0xc0: {  	[dreg:$0x0] =	wrdreg $0xFFFFFFFF;
	(pc) =	sbr.abs _section_cstart, $3  }
0xc1: {  	[dreg:$0x1] =	wrdreg $0xFFFFFFFF  }
0xc2: {  	_ =	task.clear_ibuf [dreg:s7], $0x2FFFF;
	_ =	strace $0x9FFFFFFF  }
0xc3: {  	(tm) =	ssettm $0x7FFFFFFF  }
tec
execute0_lowered:
.L_overlay_start_1:
0x0: {  	(tag) =	ssettag $0x1  }
0x1: {  	s0 =	srdreg.scid  }
0x2: {  	s1 =	rddreg [dreg:$0x0];
	s7 =	sand.u32 $0x1, s0  }
0x3: {  	s0 =	stileid.u32;
	s5 =	smul.u32 $0x4F000, s7  }
0x4: {  	s6 =	rddreg [dreg:$0x1];
	s8 =	smul.u32 $0x4F00, s0  }
0x5: {  	s3 =	rddreg [dreg:$0x2];
	s24 =	smul.u32 $0x28000, s7  }
0x6: {  	s2 =	rddreg [dreg:$0x3];
	s4 =	simm.s32 $0x0;
	s9 =	smul.u32 $0x280, s0  }
0x7: {  	s18 =	simm.s32 $0x14080;
	[smem:$0x7FF] =	sst s4;
	s10 =	smul.u32 $0x50000, s0  }
0x8: {  	_ =	strace $0x8000004D;
	s25 =	ssub.s32 $0x2, s7;
	s19 =	smul.u32 $0x2800, s0  }
0x9: {  	s7 =	sshrl.u32 s25, $0x1;
	s5 =	sadd.s32 s8, s5;
	s11 =	sadd.s32 s24, s6  }
0xa: {  	s26 =	sshrl.u32 s10, $0x2;
	s13 =	sadd.s32 $0x80, s9;
	s14 =	ssub.s32 s25, s7  }
0xb: {  	s15 =	sadd.s32 $0x100, s9;
	s16 =	sadd.s32 $0x180, s9;
	s17 =	sadd.s32 $0x200, s9  }
0xc: {  	s5 =	sshrl.u32 s5, $0x3;
	s28 =	sshll.u32 s13, $0x7;
	s29 =	sshll.u32 s15, $0x7  }
0xd: {  	s30 =	sshll.u32 s16, $0x7;
	s31 =	sshll.u32 s17, $0x7;
	s23 =	sadd.s32 $0x20200, s11  }
0xe: {  	s20 =	sshll.u32 s13, $0x4;
	s21 =	sshll.u32 s15, $0x4;
	s22 =	sshll.u32 s16, $0x4  }
0xf: {  	s24 =	sshll.u32 s17, $0x4;
	s11 =	smax.u32 s14, $0x1;
	s13 =	simm.s32 $0x14100  }
0x10: {  	s14 =	simm.s32 $0x2;
	s15 =	simm.s32 $0x14000;
	s16 =	simm.s32 $0x80  }
0x11: {  	s17 =	simm.s32 $0x1;
	s12 =	sadd.s32 s5, s6;
	s5 =	sadd.s32 $0x1FA00, s6  }
0x12: {  	s6 =	sadd.s32 s26, s3;
	s7 =	sadd.s32 s28, s3;
	s8 =	sadd.s32 s29, s3  }
0x13: {  	s9 =	sadd.s32 s30, s3;
	s10 =	sadd.s32 s31, s3;
	s19 =	sadd.s32 s19, s23  }
0x14: {  	s20 =	sadd.s32 s20, s23;
	s21 =	sadd.s32 s21, s23;
	s22 =	sadd.s32 s22, s23  }
0x15: {  	s23 =	sadd.s32 s24, s23;
	s24 =	simm.s32 $0x0;
	s12 =	sadd.s32 $0xBE00, s12  }
.LBB2_1:
0x16: {  	[tilespmem:s13], [sflag:$0x2] =	stream.linear.gather [hbm4b:s5+s4], $0x4000, $0x38;
	[tilespmem:$0x18100] =	vst v63  }
0x17: {  	_ =	swait.ge [sflag:s14], $0x4000  }
0x18: {  	[sflag:s14] =	ssyncset.done $0x0  }
0x19: {  	[sflag:s14] =	ssyncadd.s32 $0xFFFFC000  }
0x1a: {  	[spmem:s6] =	stream.linear.scatter [tilespmem:s13], [sflag:$0x2], $0x4000, $0x38;
	[tilespmem:$0x18100] =	vst v63  }
0x1b: {  	_ =	swait.ge [sflag:s14], $0x4000  }
0x1c: {  	[sflag:s14] =	ssyncset.done $0x0  }
0x1d: {  	[sflag:s14] =	ssyncadd.s32 $0xFFFFC000  }
0x1e: {  	[spmem:s7] =	stream.linear.scatter [tilespmem:s13], [sflag:$0x2], $0x4000, $0x38;
	[tilespmem:$0x18100] =	vst v63  }
0x1f: {  	_ =	swait.ge [sflag:s14], $0x4000  }
0x20: {  	[sflag:s14] =	ssyncset.done $0x0  }
0x21: {  	[sflag:s14] =	ssyncadd.s32 $0xFFFFC000  }
0x22: {  	[spmem:s8] =	stream.linear.scatter [tilespmem:s13], [sflag:$0x2], $0x4000, $0x38;
	[tilespmem:$0x18100] =	vst v63  }
0x23: {  	_ =	swait.ge [sflag:s14], $0x4000  }
0x24: {  	[sflag:s14] =	ssyncset.done $0x0  }
0x25: {  	[sflag:s14] =	ssyncadd.s32 $0xFFFFC000  }
0x26: {  	[spmem:s9] =	stream.linear.scatter [tilespmem:s13], [sflag:$0x2], $0x4000, $0x38;
	[tilespmem:$0x18100] =	vst v63  }
0x27: {  	_ =	swait.ge [sflag:s14], $0x4000  }
0x28: {  	[sflag:s14] =	ssyncset.done $0x0  }
0x29: {  	[sflag:s14] =	ssyncadd.s32 $0xFFFFC000  }
0x2a: {  	[spmem:s10] =	stream.linear.scatter [tilespmem:s13], [sflag:$0x2], $0x4000, $0x38;
	[tilespmem:$0x18100] =	vst v63  }
0x2b: {  	_ =	swait.ge [sflag:s14], $0x4000  }
0x2c: {  	[sflag:s14] =	ssyncset.done $0x0  }
0x2d: {  	[sflag:s14] =	ssyncadd.s32 $0xFFFFC000  }
0x2e: {  	s25 =	sadd.s32 $0x0, s12;
	[bflag:$0x0] =	sbarrier.arrive $0xFFFF  }
0x2f: {  	[tilespmem:s15], [sflag:$0x2] =	stream.linear.gather [hbm4b:s25+s4], $0x100, $0x38;
	[tilespmem:$0x18100] =	vst v63  }
0x30: {  	_ =	swait.ge [sflag:s14], $0x100  }
0x31: {  	[sflag:s14] =	ssyncset.done $0x0  }
0x32: {  	[sflag:s14] =	ssyncadd.s32 $0xFFFFFF00  }
0x33: {  	[tilespmem:s13], [sflag:$0x1] =	stream.indirect.gather [hbm4b:s1+s16], $0x80, s15, s16, $0xb8;
	[tilespmem:$0x18100] =	vst v63  }
0x34: {  	_ =	swait.ge [sflag:s17], $0x4000  }
0x35: {  	[sflag:s17] =	ssyncset.done $0x0  }
0x36: {  	[sflag:s17] =	ssyncadd.s32 $0xFFFFC000  }
0x37: {  	[spmem:s3] =	stream.indirect.scatter.add.f32 [tilespmem:s13], [sflag:$0x2], $0x80, s18, s16, $0xb8;
	[tilespmem:$0x18100] =	vst v63  }
0x38: {  	_ =	swait.ge [sflag:s14], $0x4000  }
0x39: {  	s26 =	simm.s32 $0x40;
	s25 =	simm.s32 $0x20;
	[sflag:s14] =	ssyncset.done $0x0  }
.LBB2_2:
0x3a: {  	s28 =	sadd.s32 s25, s12  }
0x3b: {  	[sflag:s14] =	ssyncadd.s32 $0xFFFFC000;
	s25 =	smov.u32 s26;
	s29 =	sadd.s32 $0x20, s26  }
0x3c: {  	[tilespmem:s15], [sflag:$0x2] =	stream.linear.gather [hbm4b:s28+s4], $0x100, $0x38;
	[tilespmem:$0x18100] =	vst v63  }
0x3d: {  	p0 =	sne.s32 s26, $0x9C0;
	_ =	swait.ge [sflag:s14], $0x100  }
0x3e: {  	[sflag:s14] =	ssyncset.done $0x0  }
0x3f: {  	[sflag:s14] =	ssyncadd.s32 $0xFFFFFF00  }
0x40: {  	[tilespmem:s13], [sflag:$0x1] =	stream.indirect.gather [hbm4b:s1+s16], $0x80, s15, s16, $0xb8;
	[tilespmem:$0x18100] =	vst v63  }
0x41: {  	_ =	swait.ge [sflag:s17], $0x4000  }
.Ltmp0:
0x42: {  	[sflag:s17] =	ssyncset.done $0x0;
	(pc) =	sbr.rel @p0 .LBB2_2-.Ltmp0, $4  }
0x43: {  	[sflag:s17] =	ssyncadd.s32 $0xFFFFC000  }
0x44: {  	[spmem:s3] =	stream.indirect.scatter.add.f32 [tilespmem:s13], [sflag:$0x2], $0x80, s18, s16, $0xb8;
	[tilespmem:$0x18100] =	vst v63  }
0x45: {  	_ =	swait.ge [sflag:s14], $0x4000  }
0x46: {  	s26 =	smov.u32 s29;
	[sflag:s14] =	ssyncset.done $0x0  }
0x47: {  	s25 =	sadd.s32 s25, s12;
	[sflag:s14] =	ssyncadd.s32 $0xFFFFC000  }
0x48: {  	[tilespmem:s15], [sflag:$0x2] =	stream.linear.gather [hbm4b:s25+s4], $0x100, $0x38;
	[tilespmem:$0x18100] =	vst v63  }
0x49: {  	_ =	swait.ge [sflag:s14], $0x100  }
0x4a: {  	[sflag:s14] =	ssyncset.done $0x0  }
0x4b: {  	[sflag:s14] =	ssyncadd.s32 $0xFFFFFF00  }
0x4c: {  	[tilespmem:s13], [sflag:$0x1] =	stream.indirect.gather [hbm4b:s1+s16], $0x80, s15, s16, $0xb8;
	[tilespmem:$0x18100] =	vst v63  }
0x4d: {  	_ =	swait.ge [sflag:s17], $0x4000  }
0x4e: {  	[sflag:s17] =	ssyncset.done $0x0  }
0x4f: {  	[sflag:s17] =	ssyncadd.s32 $0xFFFFC000  }
0x50: {  	[spmem:s3] =	stream.indirect.scatter.add.f32 [tilespmem:s13], [sflag:$0x2], $0x80, s18, s16, $0xb8;
	[tilespmem:$0x18100] =	vst v63  }
0x51: {  	_ =	swait.ge [sflag:s14], $0x4000  }
0x52: {  	[sflag:s14] =	ssyncset.done $0x0  }
0x53: {  	[sflag:s14] =	ssyncadd.s32 $0xFFFFC000  }
0x54: {  	[bflag:$0x0] =	sbarrier.arrive $0xFFFF  }
0x55: {  	[tilespmem:s13], [sflag:$0x2] =	stream.linear.gather [spmem:s6], $0x4000, $0x38;
	[tilespmem:$0x18100] =	vst v63  }
0x56: {  	_ =	swait.ge [sflag:s14], $0x4000  }
0x57: {  	[sflag:s14] =	ssyncset.done $0x0  }
0x58: {  	[sflag:s14] =	ssyncadd.s32 $0xFFFFC000  }
0x59: {  	[hbm4b:s19+s4] =	stream.linear.scatter [tilespmem:s13], [sflag:$0x2], $0x4000, $0x38;
	[tilespmem:$0x18100] =	vst v63  }
0x5a: {  	_ =	swait.ge [sflag:s14], $0x4000  }
0x5b: {  	[sflag:s14] =	ssyncset.done $0x0  }
0x5c: {  	[sflag:s14] =	ssyncadd.s32 $0xFFFFC000  }
0x5d: {  	[tilespmem:s13], [sflag:$0x2] =	stream.linear.gather [spmem:s7], $0x4000, $0x38;
	[tilespmem:$0x18100] =	vst v63  }
0x5e: {  	_ =	swait.ge [sflag:s14], $0x4000  }
0x5f: {  	[sflag:s14] =	ssyncset.done $0x0  }
0x60: {  	[sflag:s14] =	ssyncadd.s32 $0xFFFFC000  }
0x61: {  	[hbm4b:s20+s4] =	stream.linear.scatter [tilespmem:s13], [sflag:$0x2], $0x4000, $0x38;
	[tilespmem:$0x18100] =	vst v63  }
0x62: {  	_ =	swait.ge [sflag:s14], $0x4000  }
0x63: {  	[sflag:s14] =	ssyncset.done $0x0  }
0x64: {  	[sflag:s14] =	ssyncadd.s32 $0xFFFFC000  }
0x65: {  	[tilespmem:s13], [sflag:$0x2] =	stream.linear.gather [spmem:s8], $0x4000, $0x38;
	[tilespmem:$0x18100] =	vst v63  }
0x66: {  	_ =	swait.ge [sflag:s14], $0x4000  }
0x67: {  	[sflag:s14] =	ssyncset.done $0x0  }
0x68: {  	[sflag:s14] =	ssyncadd.s32 $0xFFFFC000  }
0x69: {  	[hbm4b:s21+s4] =	stream.linear.scatter [tilespmem:s13], [sflag:$0x2], $0x4000, $0x38;
	[tilespmem:$0x18100] =	vst v63  }
0x6a: {  	_ =	swait.ge [sflag:s14], $0x4000  }
0x6b: {  	[sflag:s14] =	ssyncset.done $0x0  }
0x6c: {  	[sflag:s14] =	ssyncadd.s32 $0xFFFFC000  }
0x6d: {  	[tilespmem:s13], [sflag:$0x2] =	stream.linear.gather [spmem:s9], $0x4000, $0x38;
	[tilespmem:$0x18100] =	vst v63  }
0x6e: {  	_ =	swait.ge [sflag:s14], $0x4000  }
0x6f: {  	[sflag:s14] =	ssyncset.done $0x0  }
0x70: {  	[sflag:s14] =	ssyncadd.s32 $0xFFFFC000  }
0x71: {  	[hbm4b:s22+s4] =	stream.linear.scatter [tilespmem:s13], [sflag:$0x2], $0x4000, $0x38;
	[tilespmem:$0x18100] =	vst v63  }
0x72: {  	_ =	swait.ge [sflag:s14], $0x4000  }
0x73: {  	[sflag:s14] =	ssyncset.done $0x0  }
0x74: {  	[sflag:s14] =	ssyncadd.s32 $0xFFFFC000  }
0x75: {  	[tilespmem:s13], [sflag:$0x2] =	stream.linear.gather [spmem:s10], $0x4000, $0x38;
	[tilespmem:$0x18100] =	vst v63  }
0x76: {  	s24 =	sadd.s32 $0x1, s24;
	_ =	swait.ge [sflag:s14], $0x4000  }
0x77: {  	p0 =	sne.s32 s24, s11;
	[sflag:s14] =	ssyncset.done $0x0  }
.Ltmp1:
0x78: {  	[sflag:s14] =	ssyncadd.s32 $0xFFFFC000;
	(pc) =	sbr.rel @p0 .LBB2_1-.Ltmp1, $4  }
0x79: {  	[hbm4b:s23+s4] =	stream.linear.scatter [tilespmem:s13], [sflag:$0x2], $0x4000, $0x38;
	[tilespmem:$0x18100] =	vst v63  }
0x7a: {  	_ =	swait.ge [sflag:s14], $0x4000  }
0x7b: {  	[sflag:s14] =	ssyncset.done $0x0  }
0x7c: {  	[sflag:s14] =	ssyncadd.s32 $0xFFFFC000  }
0x7d: {  	_ =	sfence.sel $0x180000  }
0x7e: {  	[bflag:$0x0] =	sbarrier.arrive $0xFFFF  }
0x7f: {  	p0 =	sne.s32 s0, $0x0;
	_ =	strace $0x9000004D  }
0x80: {  	s0 =	sadd.s32 @!p0 $0x100000, s2;
	[bflag:$0x2] =	sbarrier.arrive $0xFFFF  }
0x81: {  	[sflag:s0] =	ssyncadd.tile.s32 @!p0 $0x1;
	_ =	shalt  }
.Lfunc_end2:
_tile_overlayer_lowered:
.L_overlay_start_2:
0x82: {  	(tag) =	ssettag $0x2  }
0x83: {  	s0 =	rddreg [dreg:$0x0];
	s2 =	stileid.u32  }
0x84: {  	s1 =	rddreg [dreg:$0x1];
	p0 =	sne.s32 s2, $0x0  }
0x85: {  	s3 =	rddreg [dreg:$0x2];
	[bflag:$0x3] =	sbarrier.arrive $0xFFFF;
	s2 =	simm.s32 @!p0 $0x1C02  }
0x86: {  	[timem:s3], [sflag:s2] =	dma.local @!p0 [hbm:s0], s1  }
0x87: {  	s0 =	simm.s32 @!p0 $0x2  }
0x88: {  	_ =	swait.ge @!p0 [sflag:s0], s1  }
0x89: {  	s1 =	ssub.s32 @!p0 $0x0, s1;
	[sflag:s0] =	ssyncset.done @!p0 $0x0  }
0x8a: {  	[sflag:s0] =	ssyncadd.s32 @!p0 s1  }
0x8b: {  	[bflag:$0x3] =	sbarrier.arrive $0xFFFF  }
0x8c: {  	_ =	shalt  }

// kernel: kernel.7.cloned.1.call-start
scs
__scs_entry_jumppad:
0x0: {  	(pc) =	sbr.rel $0x88, $3  }
0x1: {  	(tag) =	ssettag $0x0;
	lr =	simm.s32 $0x1  }
0x2: {  	[smem:$0x3F99] =	sst lr;
	_ =	strace $0xD0000000  }
0x3: {  	_ = 	snop  }
0x4: {  	_ = 	snop  }
0x5: {  	_ = 	snop  }
0x6: {  	_ = 	snop  }
0x7: {  	_ = 	snop  }
__scs_overlays_trampoline_lowered:
0x8: {  	[smem:$0x3FA8] =	sst s0  }
0x9: {  	[smem:$0x3FA9] =	sst s1  }
0xa: {  	[smem:$0x3FAA] =	sst s2  }
0xb: {  	[smem:$0x3FAB] =	sst s3  }
0xc: {  	[smem:$0x3FAC] =	sst s4  }
0xd: {  	[smem:$0x3FAD] =	sst s5  }
0xe: {  	[smem:$0x3FAE] =	sst s6  }
0xf: {  	[smem:$0x3FAF] =	sst s7  }
0x10: {  	[smem:$0x3FB0] =	sst s8  }
0x11: {  	[smem:$0x3FB1] =	sst s9;
	s0 =	simm.s32 @!p0 $0x0  }
0x12: {  	s1 =	sld [smem:$0x3F97];
	s0 =	simm.s32 @p0 $0x1  }
0x13: {  	[smem:$0x3FB2] =	sst s0;
	s0 =	simm.s32 @!p1 $0x0  }
0x14: {  	s2 =	sld [smem:$0x3F96];
	s0 =	simm.s32 @p1 $0x1  }
0x15: {  	[smem:$0x3FB3] =	sst s0;
	s0 =	simm.s32 @!p2 $0x0  }
0x16: {  	s3 =	sld [smem:$0x3FDB];
	s0 =	simm.s32 @p2 $0x1  }
0x17: {  	s4 =	simm.s32 $0x1BF5;
	[smem:$0x3FB5] =	sst s0  }
0x18: {  	s0 =	sld [smem:$0x3F98];
	_ =	swait.ge [sflag:s4], $0x0  }
0x19: {  	s7 =	sld [smem:$0x3F99]  }
0x1a: {  	s8 =	sadd.s32 $0xFFFFE003, lr  }
0x1b: {  	s9 =	sadd.s32 $0xFFFFFEF7, lr;
	s5 =	simm.s32 $0xFFFFFFFF;
	p2 =	slt.u32 s8, $0xFFFFF086  }
0x1c: {  	p1 =	slt.u32 s9, $0xF7A;
	s5 =	simm.s32 @!p2 $0x0  }
0x1d: {  	s5 =	simm.s32 @p1 $0x1;
	p0 =	seq.s32 s7, s2  }
0x1e: {  	s7 =	smul.u32 @!p0 $0xF7A, s2;
	p2 =	seq.s32 @!p0 s5, $0x0  }
0x1f: {  	s9 =	smul.u32 $0xF7A, s1;
	s8 =	simm.s32 @!p0 $0x1BF5;
	p2 =	por !p2, p0  }
0x20: {  	[sflag:s8] =	ssyncset.s32 @!p0 $0xFFFFF086;
	s6 =	sadd.s32 @!p0 s3, s7;
	s7 =	simm.s32 @!p0 $0x108  }
0x21: {  	s3 =	sadd.s32 s3, s9;
	s6 =	sadd.s32 @!p0 $0x88, s6;
	s7 =	simm.s32 @p2 $0x1082  }
0x22: {  	[simem:s7], [sflag:s8] =	dma.local @!p0 [hbm:s6], $0xF7A  }
0x23: {  	s9 =	sor.u32 $0xD0000000, s2;
	s6 =	simm.s32 $0x108;
	_ =	swait.ge @!p0 [sflag:s8], $0x0  }
0x24: {  	s3 =	sadd.s32 $0x88, s3;
	s6 =	simm.s32 @!p1 $0x1082;
	[sflag:s4] =	ssyncset.s32 $0xFFFFF086  }
0x25: {  	[simem:s6], [sflag:s4] =	dma.local [hbm:s3], $0xF7A  }
0x26: {  	[smem:$0x3F99] =	sst s1;
	(tag) =	ssettag s2;
	_ =	strace s9  }
0x27: {  	s1 =	sld [smem:$0x3FA9]  }
0x28: {  	s2 =	sld [smem:$0x3FAA]  }
0x29: {  	s4 =	sld [smem:$0x3FAC]  }
0x2a: {  	p0 =	seq.s32 s5, $0x0;
	s5 =	sld [smem:$0x3FAD]  }
0x2b: {  	s6 =	sld [smem:$0x3FAE]  }
0x2c: {  	s7 =	sld [smem:$0x3FAF]  }
0x2d: {  	s3 =	simm.s32 $0x108;
	s8 =	sld [smem:$0x3FB0]  }
0x2e: {  	s3 =	simm.s32 @!p0 $0x1082;
	s9 =	sld [smem:$0x3FB1]  }
0x2f: {  	lr =	sadd.s32 s0, s3;
	s0 =	sld [smem:$0x3FA8]  }
0x30: {  	s3 =	sld [smem:$0x3FAB]  }
0x31: {  	[smem:$0x3FB4] =	sst s10  }
0x32: {  	s10 =	sld [smem:$0x3FB2];
	_ =	sdelay $0x3  }
0x33: {  	p0 =	seq.s32 s10, $0x1;
	s10 =	sld [smem:$0x3FB4];
	_ =	sdelay $0x3  }
0x34: {  	[smem:$0x3FB4] =	sst s10  }
0x35: {  	s10 =	sld [smem:$0x3FB3];
	_ =	sdelay $0x3  }
0x36: {  	p1 =	seq.s32 s10, $0x1;
	s10 =	sld [smem:$0x3FB4];
	_ =	sdelay $0x3  }
0x37: {  	[smem:$0x3FB4] =	sst s10  }
0x38: {  	s10 =	sld [smem:$0x3FB5]  }
0x39: {  	_ = 	snop;
	(pc) =	sbr.ind lr, $3  }
0x3a: {  	_ = 	snop  }
0x3b: {  	_ = 	snop  }
0x3c: {  	p2 =	seq.s32 s10, $0x1;
	s10 =	sld [smem:$0x3FB4]  }
0x3d: {  	_ =	shalt  }
0x3e: {  	_ =	shalt  }
0x3f: {  	_ =	shalt  }
0x40: {  	_ =	shalt  }
0x41: {  	_ =	shalt  }
0x42: {  	_ =	shalt  }
0x43: {  	_ =	shalt  }
0x44: {  	_ =	shalt  }
0x45: {  	_ =	shalt  }
0x46: {  	_ =	shalt  }
0x47: {  	_ =	shalt  }
0x48: {  	_ =	shalt  }
0x49: {  	_ =	shalt  }
0x4a: {  	_ =	shalt  }
0x4b: {  	_ =	shalt  }
0x4c: {  	_ =	shalt  }
0x4d: {  	_ =	shalt  }
0x4e: {  	_ =	shalt  }
0x4f: {  	_ =	shalt  }
0x50: {  	_ =	shalt  }
0x51: {  	_ =	shalt  }
0x52: {  	_ =	shalt  }
0x53: {  	_ =	shalt  }
0x54: {  	_ =	shalt  }
0x55: {  	_ =	shalt  }
0x56: {  	_ =	shalt  }
0x57: {  	_ =	shalt  }
0x58: {  	_ =	shalt  }
0x59: {  	_ =	shalt  }
0x5a: {  	_ =	shalt  }
0x5b: {  	_ =	shalt  }
0x5c: {  	_ =	shalt  }
0x5d: {  	_ =	shalt  }
0x5e: {  	_ =	shalt  }
0x5f: {  	_ =	shalt  }
0x60: {  	_ =	shalt  }
0x61: {  	_ =	shalt  }
0x62: {  	_ =	shalt  }
0x63: {  	_ =	shalt  }
0x64: {  	_ =	shalt  }
0x65: {  	_ =	shalt  }
0x66: {  	_ =	shalt  }
0x67: {  	_ =	shalt  }
0x68: {  	_ =	shalt  }
0x69: {  	_ =	shalt  }
0x6a: {  	_ =	shalt  }
0x6b: {  	_ =	shalt  }
0x6c: {  	_ =	shalt  }
0x6d: {  	_ =	shalt  }
0x6e: {  	_ =	shalt  }
0x6f: {  	_ =	shalt  }
0x70: {  	_ =	shalt  }
0x71: {  	_ =	shalt  }
0x72: {  	_ =	shalt  }
0x73: {  	_ =	shalt  }
0x74: {  	_ =	shalt  }
0x75: {  	_ =	shalt  }
0x76: {  	_ =	shalt  }
0x77: {  	_ =	shalt  }
0x78: {  	_ =	shalt  }
0x79: {  	_ =	shalt  }
0x7a: {  	_ =	shalt  }
0x7b: {  	_ =	shalt  }
0x7c: {  	_ =	shalt  }
0x7d: {  	_ =	shalt  }
0x7e: {  	_ =	shalt  }
0x7f: {  	_ =	shalt  }
0x80: {  	_ =	shalt  }
0x81: {  	_ =	shalt  }
0x82: {  	_ =	shalt  }
0x83: {  	_ =	shalt  }
0x84: {  	_ =	shalt  }
0x85: {  	_ =	shalt  }
0x86: {  	_ =	shalt  }
0x87: {  	_ =	shalt  }
.Lfunc_end0:
.L_simem_size_0:
called_computation_lowered:
.L_overlay_start_0:
0x88: {  	s2 =	sld [smem:$0x3FD9]  }
0x89: {  	s3 =	sld [smem:$0x3FFE];
	_ =	sdelay $0x1  }
0x8a: {  	s1 =	srdreg.scid  }
0x8b: {  	s0 =	sand.u32 $0x1, s1  }
0x8c: {  	s17 =	sshll.u32 s0, $0xA;
	s2 =	sadd.s32 s3, s2  }
0x8d: {  	s2 =	sadd.s32 s2, s17  }
0x8e: {  	[smem:$0x3FC0] =	sst s2  }
0x8f: {  	_ = 	snop  }
0x90: {  	s2 =	sld [smem:$0x3FD0];
	(tm) =	ssettm $0x1  }
0x91: {  	s18 =	sld [smem:$0x3FFB];
	_ =	sdelay $0x3  }
0x92: {  	_ =	strace s18  }
0x93: {  	s3 =	sld [smem:$0x3FFC];
	_ =	sdelay $0x3  }
0x94: {  	_ =	strace s3  }
0x95: {  	s3 =	sld [smem:$0x3FFD];
	_ =	sdelay $0x3  }
0x96: {  	_ =	strace s3  }
0x97: {  	_ =	strace $0x8FFFFFFF  }
0x98: {  	s19 =	sld [smem:$0x3FDB];
	_ =	sdelay $0x1  }
0x99: {  	s4 =	simm.s32 $_scs_section_size  }
0x9a: {  	s5 =	simm.s32 $_size__tile_overlayer_lowered;
	s6 =	simm.s32 $_tile_overlayer_lowered  }
0x9b: {  	s22 =	simm.s32 $0x1BFF;
	s21 =	sshll.u32 s6, $0x1;
	s3 =	sadd.s32 s4, s19  }
0x9c: {  	s7 =	simm.s32 $0x0;
	s20 =	sshll.u32 s5, $0x1;
	s5 =	sadd.s32 s21, s3  }
0x9d: {  	[timem:s7], [sflag:s22] =	dma.local [hbm:s5], s20  }
0x9e: {  	_ =	swait.ge [sflag:s22], s20  }
0x9f: {  	s4 =	ssub.s32 $0x0, s20;
	[sflag:s22] =	ssyncset.done $0x0  }
0xa0: {  	[sflag:s22] =	ssyncadd.s32 s4;
	_ =	sdelay $0x1  }
0xa1: {  	s23 =	simm.s32 $0x1B8B  }
0xa2: {  	_ =	swait.ge [sflag:s23], $0x1  }
0xa3: {  	[sflag:s23] =	ssyncset.done $0x0  }
0xa4: {  	s25 =	simm.s32 $0x1B8E;
	s24 =	sld [smem:$0x3FFE];
	[sflag:s23] =	ssyncadd.s32 $0xFFFFFFFF  }
0xa5: {  	s26 =	simm.s32 $execute0_lowered;
	[smem:$0x3FD2] =	sst s25  }
0xa6: {  	s5 =	sshll.u32 s26, $0x1;
	_ =	strace $0x80000046;
	[dreg:$0x1] =	wrdreg $0xFFFFFFFF  }
0xa7: {  	s28 =	simm.s32 $_size_execute0_lowered;
	s3 =	sadd.s32 s3, s5;
	[dreg:$0x0] =	wrdreg $0x0  }
0xa8: {  	s5 =	sshll.u32 s28, $0x1;
	[dreg:$0x2] =	wrdreg s3  }
0xa9: {  	[dreg:$0x3] =	wrdreg s5  }
0xaa: {  	[dreg:$0x4] =	wrdreg $0xC0  }
0xab: {  	_ =	task [dreg:s7], $0x5FFFF  }
0xac: {  	[dreg:$0x1] =	wrdreg $0xFFFFFFFF  }
0xad: {  	[dreg:$0x0] =	wrdreg $0x60  }
0xae: {  	[dreg:$0x2] =	wrdreg s2  }
0xaf: {  	[dreg:$0x3] =	wrdreg s24  }
0xb0: {  	[dreg:$0x4] =	wrdreg $0x9  }
0xb1: {  	_ =	task.clear_ibuf [dreg:s7], $0x5FFFF;
	_ =	strace $0x90000046  }
0xb2: {  	s29 =	simm.s32 $0x9;
	_ =	strace $0x80000048  }
0xb3: {  	_ =	swait.ge [sflag:s29], $0x1  }
0xb4: {  	[sflag:s29] =	ssyncadd.s32 $0xFFFFFFFF  }
0xb5: {  	_ =	strace $0x90000048  }
0xb6: {  	_ =	sfence  }
0xb7: {  	s30 =	sld [smem:$0x0];
	_ =	sdelay $0x2  }
0xb8: {  	s31 =	sshll.u32 s1, $0xD;
	s1 =	sshrl.u32 s1, $0x2  }
0xb9: {  	s3 =	sand.u32 $0x4000, s31;
	s1 =	sadd.s32 s1, s30  }
0xba: {  	s0 =	sor.u32 s3, s0;
	s1 =	sshll.u32 s1, $0x11  }
0xbb: {  	s0 =	sor.u32 s1, s0  }
0xbc: {  	s0 =	sadd.s32 $0x8F2B, s0  }
0xbd: {  	[sflag:s0] =	ssyncadd.remote.s32 $0x1  }
0xbe: {  	_ =	sfence.sel $0xFFFF  }
0xbf: {  	[dreg:$0x0] =	wrdreg $0xFFFFFFFF;
	(pc) =	sbr.abs _section_cstart, $3  }
0xc0: {  	[dreg:$0x1] =	wrdreg $0xFFFFFFFF  }
0xc1: {  	_ =	task.clear_ibuf [dreg:s7], $0x2FFFF;
	_ =	strace $0x9FFFFFFF  }
0xc2: {  	(tm) =	ssettm $0x7FFFFFFF  }
0xc3: {  	_ =	shalt  }
tec
execute0_lowered:
.L_overlay_start_1:
0x0: {  	(tag) =	ssettag $0x1  }
0x1: {  	s0 =	srdreg.scid  }
0x2: {  	s4 =	sand.u32 $0x1, s0  }
0x3: {  	s2 =	rddreg [dreg:$0x0];
	s0 =	stileid.u32;
	s1 =	sshll.u32 s4, $0x4  }
0x4: {  	s7 =	rddreg [dreg:$0x1];
	s3 =	simm.s32 $0x0;
	s5 =	sor.u32 s0, s1  }
0x5: {  	s9 =	simm.s32 $0x80;
	s10 =	simm.s32 $0x400;
	s1 =	sshrl.u32 s5, $0x3  }
0x6: {  	s11 =	simm.s32 $0x0;
	s30 =	sshll.u32 s0, $0x7;
	s6 =	smul.u32 $0x14000, s1  }
0x7: {  	[smem:$0x7FF] =	sst s3;
	s4 =	ssub.s32 $0x2, s4;
	s8 =	sand.u32 $0x380, s30  }
0x8: {  	s31 =	sshrl.u32 s4, $0x1;
	s1 =	rddreg [dreg:$0x2];
	s6 =	sor.u32 s8, s6  }
0x9: {  	_ =	strace $0x80000047;
	s8 =	simm.s32 $0x1;
	s6 =	sshrl.u32 s6, $0x3  }
0xa: {  	s6 =	sadd.s32 s6, s7;
	s7 =	ssub.s32 s4, s31;
	s4 =	smul.u32 $0x2800, s5  }
0xb: {  	v0 =	vimm.f32 $0.0e+00;
	v1 =	vimm.f32 $1.000000000e+00;
	s5 =	sadd.s32 $0x1E00, s6;
	s6 =	smax.u32 s7, $0x1;
	s7 =	simm.s32 $0x2800  }
.LBB2_1:
0xc: {  	s12 =	simm.s32 $0x0  }
.LBB2_2:
0xd: {  	p0 =	sne.s32 s12, $0x9FC0  }
.Ltmp0:
0xe: {  	_ = 	snop;
	(pc) =	sbr.rel @p0 .LBB2_2-.Ltmp0, $3  }
0xf: {  	_ =	sdelay $0x1  }
0x10: {  	s13 =	sshra.s32 s12, $0x2  }
0x11: {  	s12 =	sadd.s32 $0x40, s12;
	[tilespmem:s13+$0x0] =	vst v0  }
0x12: {  	s12 =	simm.s32 $0x0  }
.LBB2_4:
0x13: {  	s13 =	sand.u32 $0x3C00, s12  }
0x14: {  	s14 =	sand.u32 $0x380, s12;
	s13 =	sadd.s32 s4, s13  }
0x15: {  	s13 =	sor.u32 s14, s13  }
0x16: {  	s13 =	sshrl.u32 s13, $0x3  }
0x17: {  	s13 =	sadd.s32 s2, s13  }
0x18: {  	[tilespmem:s7], [sflag:$0x1] =	stream.linear.gather [hbm4b:s13+s3], $0x80, $0x38;
	[tilespmem:$0x2880] =	vst v63  }
0x19: {  	_ =	swait.ge [sflag:s8], $0x80  }
0x1a: {  	[sflag:s8] =	ssyncset.done $0x0  }
0x1b: {  	[sflag:s8] =	ssyncadd.s32 $0xFFFFFF80  }
0x1c: {  	v2 =	vld [tilespmem:$0x2800];
	_ =	sdelay $0x7  }
0x1d: {  	[tilespmem:v2+s3+$0x0] =	vst.idx.add.f32.msk $0xffff, v1  }
0x1e: {  	v2 =	vld [tilespmem:$0x2810];
	_ =	sdelay $0x7  }
0x1f: {  	[tilespmem:v2+s3+$0x0] =	vst.idx.add.f32.msk $0xffff, v1  }
0x20: {  	v2 =	vld [tilespmem:$0x2820];
	_ =	sdelay $0x7  }
0x21: {  	[tilespmem:v2+s3+$0x0] =	vst.idx.add.f32.msk $0xffff, v1  }
0x22: {  	v2 =	vld [tilespmem:$0x2830];
	_ =	sdelay $0x7  }
0x23: {  	[tilespmem:v2+s3+$0x0] =	vst.idx.add.f32.msk $0xffff, v1  }
0x24: {  	v2 =	vld [tilespmem:$0x2840];
	_ =	sdelay $0x7  }
0x25: {  	[tilespmem:v2+s3+$0x0] =	vst.idx.add.f32.msk $0xffff, v1  }
0x26: {  	v2 =	vld [tilespmem:$0x2850];
	_ =	sdelay $0x7  }
0x27: {  	[tilespmem:v2+s3+$0x0] =	vst.idx.add.f32.msk $0xffff, v1  }
0x28: {  	v2 =	vld [tilespmem:$0x2860];
	_ =	sdelay $0x7  }
0x29: {  	[tilespmem:v2+s3+$0x0] =	vst.idx.add.f32.msk $0xffff, v1  }
0x2a: {  	v2 =	vld [tilespmem:$0x2870];
	_ =	sdelay $0x2  }
0x2b: {  	p0 =	sne.s32 s12, $0x2700  }
.Ltmp1:
0x2c: {  	_ = 	snop;
	(pc) =	sbr.rel @p0 .LBB2_4-.Ltmp1, $2  }
0x2d: {  	_ =	sdelay $0x2  }
0x2e: {  	s12 =	sadd.s32 $0x80, s12;
	[tilespmem:v2+s3+$0x0] =	vst.idx.add.f32.msk $0xffff, v1  }
0x2f: {  	s11 =	sadd.s32 $0x1, s11  }
0x30: {  	p0 =	sne.s32 s11, s6  }
.Ltmp2:
0x31: {  	_ = 	snop;
	(pc) =	sbr.rel @p0 .LBB2_1-.Ltmp2, $4  }
0x32: {  	[hbm4b:s5+s9] =	stream.strided.scatter [tilespmem:s3], [sflag:$0x1], $0x2800, s10, s9, $0x38;
	[tilespmem:$0x2880] =	vst v63  }
0x33: {  	_ =	swait.ge [sflag:s8], $0x2800  }
0x34: {  	[sflag:s8] =	ssyncset.done $0x0  }
0x35: {  	[sflag:s8] =	ssyncadd.s32 $0xFFFFD800  }
0x36: {  	_ =	sfence.sel $0x180000  }
0x37: {  	[bflag:$0x0] =	sbarrier.arrive $0xFFFF  }
0x38: {  	p0 =	sne.s32 s0, $0x0;
	_ =	strace $0x90000047  }
0x39: {  	s0 =	sadd.s32 @!p0 $0x100000, s1;
	[bflag:$0x2] =	sbarrier.arrive $0xFFFF  }
0x3a: {  	[sflag:s0] =	ssyncadd.tile.s32 @!p0 $0x1;
	_ =	shalt  }
.Lfunc_end2:
_tile_overlayer_lowered:
.L_overlay_start_2:
0x3b: {  	(tag) =	ssettag $0x2  }
0x3c: {  	s0 =	rddreg [dreg:$0x0];
	s2 =	stileid.u32  }
0x3d: {  	s1 =	rddreg [dreg:$0x1];
	p0 =	sne.s32 s2, $0x0  }
0x3e: {  	s3 =	rddreg [dreg:$0x2];
	[bflag:$0x3] =	sbarrier.arrive $0xFFFF;
	s2 =	simm.s32 @!p0 $0x1C01  }
0x3f: {  	[timem:s3], [sflag:s2] =	dma.local @!p0 [hbm:s0], s1  }
0x40: {  	s0 =	simm.s32 @!p0 $0x1  }
0x41: {  	_ =	swait.ge @!p0 [sflag:s0], s1  }
0x42: {  	s1 =	ssub.s32 @!p0 $0x0, s1;
	[sflag:s0] =	ssyncset.done @!p0 $0x0  }
0x43: {  	[sflag:s0] =	ssyncadd.s32 @!p0 s1  }
0x44: {  	[bflag:$0x3] =	sbarrier.arrive $0xFFFF  }
0x45: {  	_ =	shalt  }

</sc_bundles>
